<compile_context>
chip_gen: v7x
topology: tpu7x:2x2x1
jax: 0.10.2.dev20260603
libtpu: 0.0.44.dev20260713+nightly
codegen_flags: <defaults>
</compile_context>

<pallas_src>
import functools

import jax
import jax.numpy as jnp
from jax import lax
from jax.experimental import pallas as pl
from jax.experimental.pallas import tpu as pltpu
from jax.experimental.pallas import tpu_sc as plsc

CAPACITY = 100000
D_MODEL = 512
BATCH = 4096
TAIL = CAPACITY - BATCH


BLOCK_ROWS = 4096
NB_EMB = BATCH // BLOCK_ROWS
GRID = (CAPACITY + BLOCK_ROWS - 1) // BLOCK_ROWS


def _mem_body(emb_ref, mem_ref, out_ref):
    i = pl.program_id(0)

    @pl.when(i < NB_EMB)
    def _():
        out_ref[...] = emb_ref[...]

    @pl.when(i >= NB_EMB)
    def _():
        out_ref[...] = mem_ref[...]


def _copy_memory(embeddings, memory):
    emb_last = NB_EMB - 1
    return pl.pallas_call(
        _mem_body,
        grid=(GRID,),
        in_specs=[
            pl.BlockSpec((BLOCK_ROWS, D_MODEL), lambda i: (jnp.minimum(i, emb_last), 0)),
            pl.BlockSpec((BLOCK_ROWS, D_MODEL), lambda i: (jnp.maximum(i, NB_EMB), 0)),
        ],
        out_specs=pl.BlockSpec((BLOCK_ROWS, D_MODEL), lambda i: (i, 0)),
        out_shape=jax.ShapeDtypeStruct((CAPACITY, D_MODEL), jnp.float32),
    )(embeddings, memory)



IMP_PIECE = 12000
IMP_LAST = TAIL - 7 * IMP_PIECE


def _build_imp(nc, ns):
    mesh = plsc.VectorSubcoreMesh(core_axis_name="c", subcore_axis_name="s")

    @functools.partial(
        pl.kernel,
        mesh=mesh,
        out_type=jax.ShapeDtypeStruct((CAPACITY,), jnp.float32),
        scratch_types=[pltpu.VMEM((IMP_PIECE,), jnp.float32)],
    )
    def k(sig, imp, out_imp, ibuf):
        wid = lax.axis_index("s") * nc + lax.axis_index("c")

        @pl.when(wid == 0)
        def _():
            pltpu.sync_copy(sig, ibuf.at[pl.ds(0, BATCH)])
            pltpu.sync_copy(ibuf.at[pl.ds(0, BATCH)], out_imp.at[pl.ds(0, BATCH)])

        for p in range(8):
            sz = IMP_LAST if p == 7 else IMP_PIECE
            start = BATCH + p * IMP_PIECE

            @pl.when(wid == p + 1)
            def _(sz=sz, start=start):
                pltpu.sync_copy(imp.at[pl.ds(start, sz)], ibuf.at[pl.ds(0, sz)])
                pltpu.sync_copy(ibuf.at[pl.ds(0, sz)], out_imp.at[pl.ds(start, sz)])

    return k


def kernel(embeddings, loss_signal, memory, importance):
    info = plsc.get_sparse_core_info()
    out_imp = _build_imp(info.num_cores, info.num_subcores)(
        loss_signal, importance)
    out_mem = _copy_memory(embeddings, memory)
    return out_mem, out_imp

# --- scband reference (transcript-rebuilt; emitter-appended) ---
"""Pipeline reference for scband-experience-replay-buffer-84963043049696 (READ-ONLY COPY).

The authoritative reference and input builder live on the scoring server;
editing this copy changes nothing except your own understanding.
"""

import jax, jax.numpy as jnp
import numpy as np

CAPACITY = 100000
D_MODEL = 512
BATCH = 4096


def setup_inputs(seed: int = 0) -> dict:
    key = jax.random.key(seed)
    k1, k2 = jax.random.split(key)
    embeddings = jax.random.normal(k1, (BATCH, D_MODEL), dtype=jnp.float32)
    loss_signal = jax.random.uniform(k2, (BATCH,), dtype=jnp.float32)
    # Registered buffers of the module, initialized to zeros as in __init__.
    memory = jnp.zeros((CAPACITY, D_MODEL), dtype=jnp.float32)
    importance = jnp.zeros((CAPACITY,), dtype=jnp.float32)
    return {
        "embeddings": embeddings,
        "loss_signal": loss_signal,
        "memory": memory,
        "importance": importance,
    }


def reference(embeddings, loss_signal, memory, importance):
    # Faithful translation of ExperienceReplayBuffer.add() from a fresh module
    # state: ptr = 0, full = False. batch_size <= capacity, so the
    # ptr:end slice-overwrite branch is taken (the topk-eviction branch is
    # unreachable on the first call).
    batch_size = embeddings.shape[0]
    emb = jax.lax.stop_gradient(embeddings)   # embeddings.detach()
    sig = jax.lax.stop_gradient(loss_signal)  # loss_signal.detach()
    new_memory = memory.at[0:batch_size].set(emb)
    new_importance = importance.at[0:batch_size].set(sig)
    return new_memory, new_importance

if __name__ == "__main__":
    import jax
    _d = setup_inputs()
    print(jax.jit(kernel)(*tuple(_d.values())))

</pallas_src>

<mosaic_0001>
#map = affine_map<(d0, d1) -> (0)>
module attributes {stable_mosaic.version = 14 : i64} {
  func.func @k(%arg0: i32, %arg1: i32, %arg2: memref<4096xf32, #tpu.memory_space<hbm>>, %arg3: memref<100000xf32, #tpu.memory_space<hbm>>, %arg4: memref<100000xf32, #tpu.memory_space<hbm>>, %arg5: memref<12000xf32, #tpu.memory_space<vmem>>) attributes {dimension_semantics = [#tpu.dimension_semantics<core_parallel>, #tpu.dimension_semantics<subcore_parallel>], iteration_bounds = array<i64: 2, 16>, scalar_prefetch = 0 : i64, scratch_operands = 1 : i64, tpu.core_type = #tpu.core_type<sc_vector_subcore>, window_params = [{transform_indices = #map}, {transform_indices = #map}, {transform_indices = #map}]} {
    %mul3A = arith.constant 2 : i32
    %mul3A_0 = arith.muli %arg1, %mul3A : i32
    %add3A = arith.addi %mul3A_0, %arg0 : i32
    %eq3A = arith.constant 0 : i32
    %eq3A_1 = arith.cmpi eq, %add3A, %eq3A : i32
    %convert_element_type3A = arith.extui %eq3A_1 : i1 to i32
    %cond3A = arith.constant 0 : i32
    %cond3A_2 = arith.cmpi ne, %convert_element_type3A, %cond3A : i32
    scf.if %cond3A_2 {
      "tpu.region"() ({
        %run_scoped3A = tpu.sem_alloc : memref<!tpu.dma_semaphore, #tpu.memory_space<semaphore_mem>>
        %dma_start3A = arith.constant 0 : i32
        %dma_start3A_43 = tpu.memref_slice %arg5[%dma_start3A] : memref<12000xf32, #tpu.memory_space<vmem>> -> memref<4096xf32, #tpu.memory_space<vmem>>
        %dma_start3A_44 = arith.constant 0 : i32
        %dma_start3A_45 = tpu.memref_slice %arg5[%dma_start3A_44] : memref<12000xf32, #tpu.memory_space<vmem>> -> memref<4096xf32, #tpu.memory_space<vmem>>
        tpu.enqueue_dma source(%arg2 : memref<4096xf32, #tpu.memory_space<hbm>>) target(%dma_start3A_45 : memref<4096xf32, #tpu.memory_space<vmem>>) target_semaphore(%run_scoped3A : memref<!tpu.dma_semaphore, #tpu.memory_space<semaphore_mem>>)
        %dma_wait3A = arith.constant 0 : i32
        %dma_wait3A_46 = tpu.memref_slice %arg5[%dma_wait3A] : memref<12000xf32, #tpu.memory_space<vmem>> -> memref<4096xf32, #tpu.memory_space<vmem>>
        %dma_wait3A_47 = arith.constant 0 : i32
        %dma_wait3A_48 = tpu.memref_slice %arg5[%dma_wait3A_47] : memref<12000xf32, #tpu.memory_space<vmem>> -> memref<4096xf32, #tpu.memory_space<vmem>>
        tpu.wait_dma2 semaphore(%run_scoped3A : memref<!tpu.dma_semaphore, #tpu.memory_space<semaphore_mem>>) src(%arg2 : memref<4096xf32, #tpu.memory_space<hbm>>) dst(%dma_wait3A_48 : memref<4096xf32, #tpu.memory_space<vmem>>)
        tpu.yield
      }) : () -> ()
      "tpu.region"() ({
        %run_scoped3A = tpu.sem_alloc : memref<!tpu.dma_semaphore, #tpu.memory_space<semaphore_mem>>
        %dma_start3A = arith.constant 0 : i32
        %dma_start3A_43 = tpu.memref_slice %arg5[%dma_start3A] : memref<12000xf32, #tpu.memory_space<vmem>> -> memref<4096xf32, #tpu.memory_space<vmem>>
        %dma_start3A_44 = arith.constant 0 : i32
        %dma_start3A_45 = tpu.memref_slice %arg4[%dma_start3A_44] : memref<100000xf32, #tpu.memory_space<hbm>> -> memref<4096xf32, #tpu.memory_space<hbm>>
        %dma_start3A_46 = arith.constant 0 : i32
        %dma_start3A_47 = tpu.memref_slice %arg4[%dma_start3A_46] : memref<100000xf32, #tpu.memory_space<hbm>> -> memref<4096xf32, #tpu.memory_space<hbm>>
        %dma_start3A_48 = arith.constant 0 : i32
        %dma_start3A_49 = tpu.memref_slice %arg5[%dma_start3A_48] : memref<12000xf32, #tpu.memory_space<vmem>> -> memref<4096xf32, #tpu.memory_space<vmem>>
        tpu.enqueue_dma source(%dma_start3A_49 : memref<4096xf32, #tpu.memory_space<vmem>>) target(%dma_start3A_47 : memref<4096xf32, #tpu.memory_space<hbm>>) target_semaphore(%run_scoped3A : memref<!tpu.dma_semaphore, #tpu.memory_space<semaphore_mem>>)
        %dma_wait3A = arith.constant 0 : i32
        %dma_wait3A_50 = tpu.memref_slice %arg5[%dma_wait3A] : memref<12000xf32, #tpu.memory_space<vmem>> -> memref<4096xf32, #tpu.memory_space<vmem>>
        %dma_wait3A_51 = arith.constant 0 : i32
        %dma_wait3A_52 = tpu.memref_slice %arg4[%dma_wait3A_51] : memref<100000xf32, #tpu.memory_space<hbm>> -> memref<4096xf32, #tpu.memory_space<hbm>>
        %dma_wait3A_53 = arith.constant 0 : i32
        %dma_wait3A_54 = tpu.memref_slice %arg4[%dma_wait3A_53] : memref<100000xf32, #tpu.memory_space<hbm>> -> memref<4096xf32, #tpu.memory_space<hbm>>
        %dma_wait3A_55 = arith.constant 0 : i32
        %dma_wait3A_56 = tpu.memref_slice %arg5[%dma_wait3A_55] : memref<12000xf32, #tpu.memory_space<vmem>> -> memref<4096xf32, #tpu.memory_space<vmem>>
        tpu.wait_dma2 semaphore(%run_scoped3A : memref<!tpu.dma_semaphore, #tpu.memory_space<semaphore_mem>>) src(%dma_wait3A_56 : memref<4096xf32, #tpu.memory_space<vmem>>) dst(%dma_wait3A_54 : memref<4096xf32, #tpu.memory_space<hbm>>)
        tpu.yield
      }) : () -> ()
    } else {
    }
    %eq3A_3 = arith.constant 1 : i32
    %eq3A_4 = arith.cmpi eq, %add3A, %eq3A_3 : i32
    %convert_element_type3A_5 = arith.extui %eq3A_4 : i1 to i32
    %cond3A_6 = arith.constant 0 : i32
    %cond3A_7 = arith.cmpi ne, %convert_element_type3A_5, %cond3A_6 : i32
    scf.if %cond3A_7 {
      "tpu.region"() ({
        %run_scoped3A = tpu.sem_alloc : memref<!tpu.dma_semaphore, #tpu.memory_space<semaphore_mem>>
        %dma_start3A = arith.constant 0 : i32
        %dma_start3A_43 = tpu.memref_slice %arg5[%dma_start3A] : memref<12000xf32, #tpu.memory_space<vmem>> -> memref<12000xf32, #tpu.memory_space<vmem>>
        %dma_start3A_44 = arith.constant 4096 : i32
        %dma_start3A_45 = tpu.memref_slice %arg3[%dma_start3A_44] : memref<100000xf32, #tpu.memory_space<hbm>> -> memref<12000xf32, #tpu.memory_space<hbm>>
        %dma_start3A_46 = arith.constant 0 : i32
        %dma_start3A_47 = tpu.memref_slice %arg5[%dma_start3A_46] : memref<12000xf32, #tpu.memory_space<vmem>> -> memref<12000xf32, #tpu.memory_space<vmem>>
        %dma_start3A_48 = arith.constant 4096 : i32
        %dma_start3A_49 = tpu.memref_slice %arg3[%dma_start3A_48] : memref<100000xf32, #tpu.memory_space<hbm>> -> memref<12000xf32, #tpu.memory_space<hbm>>
        tpu.enqueue_dma source(%dma_start3A_49 : memref<12000xf32, #tpu.memory_space<hbm>>) target(%dma_start3A_47 : memref<12000xf32, #tpu.memory_space<vmem>>) target_semaphore(%run_scoped3A : memref<!tpu.dma_semaphore, #tpu.memory_space<semaphore_mem>>)
        %dma_wait3A = arith.constant 0 : i32
        %dma_wait3A_50 = tpu.memref_slice %arg5[%dma_wait3A] : memref<12000xf32, #tpu.memory_space<vmem>> -> memref<12000xf32, #tpu.memory_space<vmem>>
        %dma_wait3A_51 = arith.constant 4096 : i32
        %dma_wait3A_52 = tpu.memref_slice %arg3[%dma_wait3A_51] : memref<100000xf32, #tpu.memory_space<hbm>> -> memref<12000xf32, #tpu.memory_space<hbm>>
        %dma_wait3A_53 = arith.constant 0 : i32
        %dma_wait3A_54 = tpu.memref_slice %arg5[%dma_wait3A_53] : memref<12000xf32, #tpu.memory_space<vmem>> -> memref<12000xf32, #tpu.memory_space<vmem>>
        %dma_wait3A_55 = arith.constant 4096 : i32
        %dma_wait3A_56 = tpu.memref_slice %arg3[%dma_wait3A_55] : memref<100000xf32, #tpu.memory_space<hbm>> -> memref<12000xf32, #tpu.memory_space<hbm>>
        tpu.wait_dma2 semaphore(%run_scoped3A : memref<!tpu.dma_semaphore, #tpu.memory_space<semaphore_mem>>) src(%dma_wait3A_56 : memref<12000xf32, #tpu.memory_space<hbm>>) dst(%dma_wait3A_54 : memref<12000xf32, #tpu.memory_space<vmem>>)
        tpu.yield
      }) : () -> ()
      "tpu.region"() ({
        %run_scoped3A = tpu.sem_alloc : memref<!tpu.dma_semaphore, #tpu.memory_space<semaphore_mem>>
        %dma_start3A = arith.constant 0 : i32
        %dma_start3A_43 = tpu.memref_slice %arg5[%dma_start3A] : memref<12000xf32, #tpu.memory_space<vmem>> -> memref<12000xf32, #tpu.memory_space<vmem>>
        %dma_start3A_44 = arith.constant 4096 : i32
        %dma_start3A_45 = tpu.memref_slice %arg4[%dma_start3A_44] : memref<100000xf32, #tpu.memory_space<hbm>> -> memref<12000xf32, #tpu.memory_space<hbm>>
        %dma_start3A_46 = arith.constant 4096 : i32
        %dma_start3A_47 = tpu.memref_slice %arg4[%dma_start3A_46] : memref<100000xf32, #tpu.memory_space<hbm>> -> memref<12000xf32, #tpu.memory_space<hbm>>
        %dma_start3A_48 = arith.constant 0 : i32
        %dma_start3A_49 = tpu.memref_slice %arg5[%dma_start3A_48] : memref<12000xf32, #tpu.memory_space<vmem>> -> memref<12000xf32, #tpu.memory_space<vmem>>
        tpu.enqueue_dma source(%dma_start3A_49 : memref<12000xf32, #tpu.memory_space<vmem>>) target(%dma_start3A_47 : memref<12000xf32, #tpu.memory_space<hbm>>) target_semaphore(%run_scoped3A : memref<!tpu.dma_semaphore, #tpu.memory_space<semaphore_mem>>)
        %dma_wait3A = arith.constant 0 : i32
        %dma_wait3A_50 = tpu.memref_slice %arg5[%dma_wait3A] : memref<12000xf32, #tpu.memory_space<vmem>> -> memref<12000xf32, #tpu.memory_space<vmem>>
        %dma_wait3A_51 = arith.constant 4096 : i32
        %dma_wait3A_52 = tpu.memref_slice %arg4[%dma_wait3A_51] : memref<100000xf32, #tpu.memory_space<hbm>> -> memref<12000xf32, #tpu.memory_space<hbm>>
        %dma_wait3A_53 = arith.constant 4096 : i32
        %dma_wait3A_54 = tpu.memref_slice %arg4[%dma_wait3A_53] : memref<100000xf32, #tpu.memory_space<hbm>> -> memref<12000xf32, #tpu.memory_space<hbm>>
        %dma_wait3A_55 = arith.constant 0 : i32
        %dma_wait3A_56 = tpu.memref_slice %arg5[%dma_wait3A_55] : memref<12000xf32, #tpu.memory_space<vmem>> -> memref<12000xf32, #tpu.memory_space<vmem>>
        tpu.wait_dma2 semaphore(%run_scoped3A : memref<!tpu.dma_semaphore, #tpu.memory_space<semaphore_mem>>) src(%dma_wait3A_56 : memref<12000xf32, #tpu.memory_space<vmem>>) dst(%dma_wait3A_54 : memref<12000xf32, #tpu.memory_space<hbm>>)
        tpu.yield
      }) : () -> ()
    } else {
    }
    %eq3A_8 = arith.constant 2 : i32
    %eq3A_9 = arith.cmpi eq, %add3A, %eq3A_8 : i32
    %convert_element_type3A_10 = arith.extui %eq3A_9 : i1 to i32
    %cond3A_11 = arith.constant 0 : i32
    %cond3A_12 = arith.cmpi ne, %convert_element_type3A_10, %cond3A_11 : i32
    scf.if %cond3A_12 {
      "tpu.region"() ({
        %run_scoped3A = tpu.sem_alloc : memref<!tpu.dma_semaphore, #tpu.memory_space<semaphore_mem>>
        %dma_start3A = arith.constant 0 : i32
        %dma_start3A_43 = tpu.memref_slice %arg5[%dma_start3A] : memref<12000xf32, #tpu.memory_space<vmem>> -> memref<12000xf32, #tpu.memory_space<vmem>>
        %dma_start3A_44 = arith.constant 16096 : i32
        %dma_start3A_45 = tpu.memref_slice %arg3[%dma_start3A_44] : memref<100000xf32, #tpu.memory_space<hbm>> -> memref<12000xf32, #tpu.memory_space<hbm>>
        %dma_start3A_46 = arith.constant 0 : i32
        %dma_start3A_47 = tpu.memref_slice %arg5[%dma_start3A_46] : memref<12000xf32, #tpu.memory_space<vmem>> -> memref<12000xf32, #tpu.memory_space<vmem>>
        %dma_start3A_48 = arith.constant 16096 : i32
        %dma_start3A_49 = tpu.memref_slice %arg3[%dma_start3A_48] : memref<100000xf32, #tpu.memory_space<hbm>> -> memref<12000xf32, #tpu.memory_space<hbm>>
        tpu.enqueue_dma source(%dma_start3A_49 : memref<12000xf32, #tpu.memory_space<hbm>>) target(%dma_start3A_47 : memref<12000xf32, #tpu.memory_space<vmem>>) target_semaphore(%run_scoped3A : memref<!tpu.dma_semaphore, #tpu.memory_space<semaphore_mem>>)
        %dma_wait3A = arith.constant 0 : i32
        %dma_wait3A_50 = tpu.memref_slice %arg5[%dma_wait3A] : memref<12000xf32, #tpu.memory_space<vmem>> -> memref<12000xf32, #tpu.memory_space<vmem>>
        %dma_wait3A_51 = arith.constant 16096 : i32
        %dma_wait3A_52 = tpu.memref_slice %arg3[%dma_wait3A_51] : memref<100000xf32, #tpu.memory_space<hbm>> -> memref<12000xf32, #tpu.memory_space<hbm>>
        %dma_wait3A_53 = arith.constant 0 : i32
        %dma_wait3A_54 = tpu.memref_slice %arg5[%dma_wait3A_53] : memref<12000xf32, #tpu.memory_space<vmem>> -> memref<12000xf32, #tpu.memory_space<vmem>>
        %dma_wait3A_55 = arith.constant 16096 : i32
        %dma_wait3A_56 = tpu.memref_slice %arg3[%dma_wait3A_55] : memref<100000xf32, #tpu.memory_space<hbm>> -> memref<12000xf32, #tpu.memory_space<hbm>>
        tpu.wait_dma2 semaphore(%run_scoped3A : memref<!tpu.dma_semaphore, #tpu.memory_space<semaphore_mem>>) src(%dma_wait3A_56 : memref<12000xf32, #tpu.memory_space<hbm>>) dst(%dma_wait3A_54 : memref<12000xf32, #tpu.memory_space<vmem>>)
        tpu.yield
      }) : () -> ()
      "tpu.region"() ({
        %run_scoped3A = tpu.sem_alloc : memref<!tpu.dma_semaphore, #tpu.memory_space<semaphore_mem>>
        %dma_start3A = arith.constant 0 : i32
        %dma_start3A_43 = tpu.memref_slice %arg5[%dma_start3A] : memref<12000xf32, #tpu.memory_space<vmem>> -> memref<12000xf32, #tpu.memory_space<vmem>>
        %dma_start3A_44 = arith.constant 16096 : i32
        %dma_start3A_45 = tpu.memref_slice %arg4[%dma_start3A_44] : memref<100000xf32, #tpu.memory_space<hbm>> -> memref<12000xf32, #tpu.memory_space<hbm>>
        %dma_start3A_46 = arith.constant 16096 : i32
        %dma_start3A_47 = tpu.memref_slice %arg4[%dma_start3A_46] : memref<100000xf32, #tpu.memory_space<hbm>> -> memref<12000xf32, #tpu.memory_space<hbm>>
        %dma_start3A_48 = arith.constant 0 : i32
        %dma_start3A_49 = tpu.memref_slice %arg5[%dma_start3A_48] : memref<12000xf32, #tpu.memory_space<vmem>> -> memref<12000xf32, #tpu.memory_space<vmem>>
        tpu.enqueue_dma source(%dma_start3A_49 : memref<12000xf32, #tpu.memory_space<vmem>>) target(%dma_start3A_47 : memref<12000xf32, #tpu.memory_space<hbm>>) target_semaphore(%run_scoped3A : memref<!tpu.dma_semaphore, #tpu.memory_space<semaphore_mem>>)
        %dma_wait3A = arith.constant 0 : i32
        %dma_wait3A_50 = tpu.memref_slice %arg5[%dma_wait3A] : memref<12000xf32, #tpu.memory_space<vmem>> -> memref<12000xf32, #tpu.memory_space<vmem>>
        %dma_wait3A_51 = arith.constant 16096 : i32
        %dma_wait3A_52 = tpu.memref_slice %arg4[%dma_wait3A_51] : memref<100000xf32, #tpu.memory_space<hbm>> -> memref<12000xf32, #tpu.memory_space<hbm>>
        %dma_wait3A_53 = arith.constant 16096 : i32
        %dma_wait3A_54 = tpu.memref_slice %arg4[%dma_wait3A_53] : memref<100000xf32, #tpu.memory_space<hbm>> -> memref<12000xf32, #tpu.memory_space<hbm>>
        %dma_wait3A_55 = arith.constant 0 : i32
        %dma_wait3A_56 = tpu.memref_slice %arg5[%dma_wait3A_55] : memref<12000xf32, #tpu.memory_space<vmem>> -> memref<12000xf32, #tpu.memory_space<vmem>>
        tpu.wait_dma2 semaphore(%run_scoped3A : memref<!tpu.dma_semaphore, #tpu.memory_space<semaphore_mem>>) src(%dma_wait3A_56 : memref<12000xf32, #tpu.memory_space<vmem>>) dst(%dma_wait3A_54 : memref<12000xf32, #tpu.memory_space<hbm>>)
        tpu.yield
      }) : () -> ()
    } else {
    }
    %eq3A_13 = arith.constant 3 : i32
    %eq3A_14 = arith.cmpi eq, %add3A, %eq3A_13 : i32
    %convert_element_type3A_15 = arith.extui %eq3A_14 : i1 to i32
    %cond3A_16 = arith.constant 0 : i32
    %cond3A_17 = arith.cmpi ne, %convert_element_type3A_15, %cond3A_16 : i32
    scf.if %cond3A_17 {
      "tpu.region"() ({
        %run_scoped3A = tpu.sem_alloc : memref<!tpu.dma_semaphore, #tpu.memory_space<semaphore_mem>>
        %dma_start3A = arith.constant 0 : i32
        %dma_start3A_43 = tpu.memref_slice %arg5[%dma_start3A] : memref<12000xf32, #tpu.memory_space<vmem>> -> memref<12000xf32, #tpu.memory_space<vmem>>
        %dma_start3A_44 = arith.constant 28096 : i32
        %dma_start3A_45 = tpu.memref_slice %arg3[%dma_start3A_44] : memref<100000xf32, #tpu.memory_space<hbm>> -> memref<12000xf32, #tpu.memory_space<hbm>>
        %dma_start3A_46 = arith.constant 0 : i32
        %dma_start3A_47 = tpu.memref_slice %arg5[%dma_start3A_46] : memref<12000xf32, #tpu.memory_space<vmem>> -> memref<12000xf32, #tpu.memory_space<vmem>>
        %dma_start3A_48 = arith.constant 28096 : i32
        %dma_start3A_49 = tpu.memref_slice %arg3[%dma_start3A_48] : memref<100000xf32, #tpu.memory_space<hbm>> -> memref<12000xf32, #tpu.memory_space<hbm>>
        tpu.enqueue_dma source(%dma_start3A_49 : memref<12000xf32, #tpu.memory_space<hbm>>) target(%dma_start3A_47 : memref<12000xf32, #tpu.memory_space<vmem>>) target_semaphore(%run_scoped3A : memref<!tpu.dma_semaphore, #tpu.memory_space<semaphore_mem>>)
        %dma_wait3A = arith.constant 0 : i32
        %dma_wait3A_50 = tpu.memref_slice %arg5[%dma_wait3A] : memref<12000xf32, #tpu.memory_space<vmem>> -> memref<12000xf32, #tpu.memory_space<vmem>>
        %dma_wait3A_51 = arith.constant 28096 : i32
        %dma_wait3A_52 = tpu.memref_slice %arg3[%dma_wait3A_51] : memref<100000xf32, #tpu.memory_space<hbm>> -> memref<12000xf32, #tpu.memory_space<hbm>>
        %dma_wait3A_53 = arith.constant 0 : i32
        %dma_wait3A_54 = tpu.memref_slice %arg5[%dma_wait3A_53] : memref<12000xf32, #tpu.memory_space<vmem>> -> memref<12000xf32, #tpu.memory_space<vmem>>
        %dma_wait3A_55 = arith.constant 28096 : i32
        %dma_wait3A_56 = tpu.memref_slice %arg3[%dma_wait3A_55] : memref<100000xf32, #tpu.memory_space<hbm>> -> memref<12000xf32, #tpu.memory_space<hbm>>
        tpu.wait_dma2 semaphore(%run_scoped3A : memref<!tpu.dma_semaphore, #tpu.memory_space<semaphore_mem>>) src(%dma_wait3A_56 : memref<12000xf32, #tpu.memory_space<hbm>>) dst(%dma_wait3A_54 : memref<12000xf32, #tpu.memory_space<vmem>>)
        tpu.yield
      }) : () -> ()
      "tpu.region"() ({
        %run_scoped3A = tpu.sem_alloc : memref<!tpu.dma_semaphore, #tpu.memory_space<semaphore_mem>>
        %dma_start3A = arith.constant 0 : i32
        %dma_start3A_43 = tpu.memref_slice %arg5[%dma_start3A] : memref<12000xf32, #tpu.memory_space<vmem>> -> memref<12000xf32, #tpu.memory_space<vmem>>
        %dma_start3A_44 = arith.constant 28096 : i32
        %dma_start3A_45 = tpu.memref_slice %arg4[%dma_start3A_44] : memref<100000xf32, #tpu.memory_space<hbm>> -> memref<12000xf32, #tpu.memory_space<hbm>>
        %dma_start3A_46 = arith.constant 28096 : i32
        %dma_start3A_47 = tpu.memref_slice %arg4[%dma_start3A_46] : memref<100000xf32, #tpu.memory_space<hbm>> -> memref<12000xf32, #tpu.memory_space<hbm>>
        %dma_start3A_48 = arith.constant 0 : i32
        %dma_start3A_49 = tpu.memref_slice %arg5[%dma_start3A_48] : memref<12000xf32, #tpu.memory_space<vmem>> -> memref<12000xf32, #tpu.memory_space<vmem>>
        tpu.enqueue_dma source(%dma_start3A_49 : memref<12000xf32, #tpu.memory_space<vmem>>) target(%dma_start3A_47 : memref<12000xf32, #tpu.memory_space<hbm>>) target_semaphore(%run_scoped3A : memref<!tpu.dma_semaphore, #tpu.memory_space<semaphore_mem>>)
        %dma_wait3A = arith.constant 0 : i32
        %dma_wait3A_50 = tpu.memref_slice %arg5[%dma_wait3A] : memref<12000xf32, #tpu.memory_space<vmem>> -> memref<12000xf32, #tpu.memory_space<vmem>>
        %dma_wait3A_51 = arith.constant 28096 : i32
        %dma_wait3A_52 = tpu.memref_slice %arg4[%dma_wait3A_51] : memref<100000xf32, #tpu.memory_space<hbm>> -> memref<12000xf32, #tpu.memory_space<hbm>>
        %dma_wait3A_53 = arith.constant 28096 : i32
        %dma_wait3A_54 = tpu.memref_slice %arg4[%dma_wait3A_53] : memref<100000xf32, #tpu.memory_space<hbm>> -> memref<12000xf32, #tpu.memory_space<hbm>>
        %dma_wait3A_55 = arith.constant 0 : i32
        %dma_wait3A_56 = tpu.memref_slice %arg5[%dma_wait3A_55] : memref<12000xf32, #tpu.memory_space<vmem>> -> memref<12000xf32, #tpu.memory_space<vmem>>
        tpu.wait_dma2 semaphore(%run_scoped3A : memref<!tpu.dma_semaphore, #tpu.memory_space<semaphore_mem>>) src(%dma_wait3A_56 : memref<12000xf32, #tpu.memory_space<vmem>>) dst(%dma_wait3A_54 : memref<12000xf32, #tpu.memory_space<hbm>>)
        tpu.yield
      }) : () -> ()
    } else {
    }
    %eq3A_18 = arith.constant 4 : i32
    %eq3A_19 = arith.cmpi eq, %add3A, %eq3A_18 : i32
    %convert_element_type3A_20 = arith.extui %eq3A_19 : i1 to i32
    %cond3A_21 = arith.constant 0 : i32
    %cond3A_22 = arith.cmpi ne, %convert_element_type3A_20, %cond3A_21 : i32
    scf.if %cond3A_22 {
      "tpu.region"() ({
        %run_scoped3A = tpu.sem_alloc : memref<!tpu.dma_semaphore, #tpu.memory_space<semaphore_mem>>
        %dma_start3A = arith.constant 0 : i32
        %dma_start3A_43 = tpu.memref_slice %arg5[%dma_start3A] : memref<12000xf32, #tpu.memory_space<vmem>> -> memref<12000xf32, #tpu.memory_space<vmem>>
        %dma_start3A_44 = arith.constant 40096 : i32
        %dma_start3A_45 = tpu.memref_slice %arg3[%dma_start3A_44] : memref<100000xf32, #tpu.memory_space<hbm>> -> memref<12000xf32, #tpu.memory_space<hbm>>
        %dma_start3A_46 = arith.constant 0 : i32
        %dma_start3A_47 = tpu.memref_slice %arg5[%dma_start3A_46] : memref<12000xf32, #tpu.memory_space<vmem>> -> memref<12000xf32, #tpu.memory_space<vmem>>
        %dma_start3A_48 = arith.constant 40096 : i32
        %dma_start3A_49 = tpu.memref_slice %arg3[%dma_start3A_48] : memref<100000xf32, #tpu.memory_space<hbm>> -> memref<12000xf32, #tpu.memory_space<hbm>>
        tpu.enqueue_dma source(%dma_start3A_49 : memref<12000xf32, #tpu.memory_space<hbm>>) target(%dma_start3A_47 : memref<12000xf32, #tpu.memory_space<vmem>>) target_semaphore(%run_scoped3A : memref<!tpu.dma_semaphore, #tpu.memory_space<semaphore_mem>>)
        %dma_wait3A = arith.constant 0 : i32
        %dma_wait3A_50 = tpu.memref_slice %arg5[%dma_wait3A] : memref<12000xf32, #tpu.memory_space<vmem>> -> memref<12000xf32, #tpu.memory_space<vmem>>
        %dma_wait3A_51 = arith.constant 40096 : i32
        %dma_wait3A_52 = tpu.memref_slice %arg3[%dma_wait3A_51] : memref<100000xf32, #tpu.memory_space<hbm>> -> memref<12000xf32, #tpu.memory_space<hbm>>
        %dma_wait3A_53 = arith.constant 0 : i32
        %dma_wait3A_54 = tpu.memref_slice %arg5[%dma_wait3A_53] : memref<12000xf32, #tpu.memory_space<vmem>> -> memref<12000xf32, #tpu.memory_space<vmem>>
        %dma_wait3A_55 = arith.constant 40096 : i32
        %dma_wait3A_56 = tpu.memref_slice %arg3[%dma_wait3A_55] : memref<100000xf32, #tpu.memory_space<hbm>> -> memref<12000xf32, #tpu.memory_space<hbm>>
        tpu.wait_dma2 semaphore(%run_scoped3A : memref<!tpu.dma_semaphore, #tpu.memory_space<semaphore_mem>>) src(%dma_wait3A_56 : memref<12000xf32, #tpu.memory_space<hbm>>) dst(%dma_wait3A_54 : memref<12000xf32, #tpu.memory_space<vmem>>)
        tpu.yield
      }) : () -> ()
      "tpu.region"() ({
        %run_scoped3A = tpu.sem_alloc : memref<!tpu.dma_semaphore, #tpu.memory_space<semaphore_mem>>
        %dma_start3A = arith.constant 0 : i32
        %dma_start3A_43 = tpu.memref_slice %arg5[%dma_start3A] : memref<12000xf32, #tpu.memory_space<vmem>> -> memref<12000xf32, #tpu.memory_space<vmem>>
        %dma_start3A_44 = arith.constant 40096 : i32
        %dma_start3A_45 = tpu.memref_slice %arg4[%dma_start3A_44] : memref<100000xf32, #tpu.memory_space<hbm>> -> memref<12000xf32, #tpu.memory_space<hbm>>
        %dma_start3A_46 = arith.constant 40096 : i32
        %dma_start3A_47 = tpu.memref_slice %arg4[%dma_start3A_46] : memref<100000xf32, #tpu.memory_space<hbm>> -> memref<12000xf32, #tpu.memory_space<hbm>>
        %dma_start3A_48 = arith.constant 0 : i32
        %dma_start3A_49 = tpu.memref_slice %arg5[%dma_start3A_48] : memref<12000xf32, #tpu.memory_space<vmem>> -> memref<12000xf32, #tpu.memory_space<vmem>>
        tpu.enqueue_dma source(%dma_start3A_49 : memref<12000xf32, #tpu.memory_space<vmem>>) target(%dma_start3A_47 : memref<12000xf32, #tpu.memory_space<hbm>>) target_semaphore(%run_scoped3A : memref<!tpu.dma_semaphore, #tpu.memory_space<semaphore_mem>>)
        %dma_wait3A = arith.constant 0 : i32
        %dma_wait3A_50 = tpu.memref_slice %arg5[%dma_wait3A] : memref<12000xf32, #tpu.memory_space<vmem>> -> memref<12000xf32, #tpu.memory_space<vmem>>
        %dma_wait3A_51 = arith.constant 40096 : i32
        %dma_wait3A_52 = tpu.memref_slice %arg4[%dma_wait3A_51] : memref<100000xf32, #tpu.memory_space<hbm>> -> memref<12000xf32, #tpu.memory_space<hbm>>
        %dma_wait3A_53 = arith.constant 40096 : i32
        %dma_wait3A_54 = tpu.memref_slice %arg4[%dma_wait3A_53] : memref<100000xf32, #tpu.memory_space<hbm>> -> memref<12000xf32, #tpu.memory_space<hbm>>
        %dma_wait3A_55 = arith.constant 0 : i32
        %dma_wait3A_56 = tpu.memref_slice %arg5[%dma_wait3A_55] : memref<12000xf32, #tpu.memory_space<vmem>> -> memref<12000xf32, #tpu.memory_space<vmem>>
        tpu.wait_dma2 semaphore(%run_scoped3A : memref<!tpu.dma_semaphore, #tpu.memory_space<semaphore_mem>>) src(%dma_wait3A_56 : memref<12000xf32, #tpu.memory_space<vmem>>) dst(%dma_wait3A_54 : memref<12000xf32, #tpu.memory_space<hbm>>)
        tpu.yield
      }) : () -> ()
    } else {
    }
    %eq3A_23 = arith.constant 5 : i32
    %eq3A_24 = arith.cmpi eq, %add3A, %eq3A_23 : i32
    %convert_element_type3A_25 = arith.extui %eq3A_24 : i1 to i32
    %cond3A_26 = arith.constant 0 : i32
    %cond3A_27 = arith.cmpi ne, %convert_element_type3A_25, %cond3A_26 : i32
    scf.if %cond3A_27 {
      "tpu.region"() ({
        %run_scoped3A = tpu.sem_alloc : memref<!tpu.dma_semaphore, #tpu.memory_space<semaphore_mem>>
        %dma_start3A = arith.constant 0 : i32
        %dma_start3A_43 = tpu.memref_slice %arg5[%dma_start3A] : memref<12000xf32, #tpu.memory_space<vmem>> -> memref<12000xf32, #tpu.memory_space<vmem>>
        %dma_start3A_44 = arith.constant 52096 : i32
        %dma_start3A_45 = tpu.memref_slice %arg3[%dma_start3A_44] : memref<100000xf32, #tpu.memory_space<hbm>> -> memref<12000xf32, #tpu.memory_space<hbm>>
        %dma_start3A_46 = arith.constant 0 : i32
        %dma_start3A_47 = tpu.memref_slice %arg5[%dma_start3A_46] : memref<12000xf32, #tpu.memory_space<vmem>> -> memref<12000xf32, #tpu.memory_space<vmem>>
        %dma_start3A_48 = arith.constant 52096 : i32
        %dma_start3A_49 = tpu.memref_slice %arg3[%dma_start3A_48] : memref<100000xf32, #tpu.memory_space<hbm>> -> memref<12000xf32, #tpu.memory_space<hbm>>
        tpu.enqueue_dma source(%dma_start3A_49 : memref<12000xf32, #tpu.memory_space<hbm>>) target(%dma_start3A_47 : memref<12000xf32, #tpu.memory_space<vmem>>) target_semaphore(%run_scoped3A : memref<!tpu.dma_semaphore, #tpu.memory_space<semaphore_mem>>)
        %dma_wait3A = arith.constant 0 : i32
        %dma_wait3A_50 = tpu.memref_slice %arg5[%dma_wait3A] : memref<12000xf32, #tpu.memory_space<vmem>> -> memref<12000xf32, #tpu.memory_space<vmem>>
        %dma_wait3A_51 = arith.constant 52096 : i32
        %dma_wait3A_52 = tpu.memref_slice %arg3[%dma_wait3A_51] : memref<100000xf32, #tpu.memory_space<hbm>> -> memref<12000xf32, #tpu.memory_space<hbm>>
        %dma_wait3A_53 = arith.constant 0 : i32
        %dma_wait3A_54 = tpu.memref_slice %arg5[%dma_wait3A_53] : memref<12000xf32, #tpu.memory_space<vmem>> -> memref<12000xf32, #tpu.memory_space<vmem>>
        %dma_wait3A_55 = arith.constant 52096 : i32
        %dma_wait3A_56 = tpu.memref_slice %arg3[%dma_wait3A_55] : memref<100000xf32, #tpu.memory_space<hbm>> -> memref<12000xf32, #tpu.memory_space<hbm>>
        tpu.wait_dma2 semaphore(%run_scoped3A : memref<!tpu.dma_semaphore, #tpu.memory_space<semaphore_mem>>) src(%dma_wait3A_56 : memref<12000xf32, #tpu.memory_space<hbm>>) dst(%dma_wait3A_54 : memref<12000xf32, #tpu.memory_space<vmem>>)
        tpu.yield
      }) : () -> ()
      "tpu.region"() ({
        %run_scoped3A = tpu.sem_alloc : memref<!tpu.dma_semaphore, #tpu.memory_space<semaphore_mem>>
        %dma_start3A = arith.constant 0 : i32
        %dma_start3A_43 = tpu.memref_slice %arg5[%dma_start3A] : memref<12000xf32, #tpu.memory_space<vmem>> -> memref<12000xf32, #tpu.memory_space<vmem>>
        %dma_start3A_44 = arith.constant 52096 : i32
        %dma_start3A_45 = tpu.memref_slice %arg4[%dma_start3A_44] : memref<100000xf32, #tpu.memory_space<hbm>> -> memref<12000xf32, #tpu.memory_space<hbm>>
        %dma_start3A_46 = arith.constant 52096 : i32
        %dma_start3A_47 = tpu.memref_slice %arg4[%dma_start3A_46] : memref<100000xf32, #tpu.memory_space<hbm>> -> memref<12000xf32, #tpu.memory_space<hbm>>
        %dma_start3A_48 = arith.constant 0 : i32
        %dma_start3A_49 = tpu.memref_slice %arg5[%dma_start3A_48] : memref<12000xf32, #tpu.memory_space<vmem>> -> memref<12000xf32, #tpu.memory_space<vmem>>
        tpu.enqueue_dma source(%dma_start3A_49 : memref<12000xf32, #tpu.memory_space<vmem>>) target(%dma_start3A_47 : memref<12000xf32, #tpu.memory_space<hbm>>) target_semaphore(%run_scoped3A : memref<!tpu.dma_semaphore, #tpu.memory_space<semaphore_mem>>)
        %dma_wait3A = arith.constant 0 : i32
        %dma_wait3A_50 = tpu.memref_slice %arg5[%dma_wait3A] : memref<12000xf32, #tpu.memory_space<vmem>> -> memref<12000xf32, #tpu.memory_space<vmem>>
        %dma_wait3A_51 = arith.constant 52096 : i32
        %dma_wait3A_52 = tpu.memref_slice %arg4[%dma_wait3A_51] : memref<100000xf32, #tpu.memory_space<hbm>> -> memref<12000xf32, #tpu.memory_space<hbm>>
        %dma_wait3A_53 = arith.constant 52096 : i32
        %dma_wait3A_54 = tpu.memref_slice %arg4[%dma_wait3A_53] : memref<100000xf32, #tpu.memory_space<hbm>> -> memref<12000xf32, #tpu.memory_space<hbm>>
        %dma_wait3A_55 = arith.constant 0 : i32
        %dma_wait3A_56 = tpu.memref_slice %arg5[%dma_wait3A_55] : memref<12000xf32, #tpu.memory_space<vmem>> -> memref<12000xf32, #tpu.memory_space<vmem>>
        tpu.wait_dma2 semaphore(%run_scoped3A : memref<!tpu.dma_semaphore, #tpu.memory_space<semaphore_mem>>) src(%dma_wait3A_56 : memref<12000xf32, #tpu.memory_space<vmem>>) dst(%dma_wait3A_54 : memref<12000xf32, #tpu.memory_space<hbm>>)
        tpu.yield
      }) : () -> ()
    } else {
    }
    %eq3A_28 = arith.constant 6 : i32
    %eq3A_29 = arith.cmpi eq, %add3A, %eq3A_28 : i32
    %convert_element_type3A_30 = arith.extui %eq3A_29 : i1 to i32
    %cond3A_31 = arith.constant 0 : i32
    %cond3A_32 = arith.cmpi ne, %convert_element_type3A_30, %cond3A_31 : i32
    scf.if %cond3A_32 {
      "tpu.region"() ({
        %run_scoped3A = tpu.sem_alloc : memref<!tpu.dma_semaphore, #tpu.memory_space<semaphore_mem>>
        %dma_start3A = arith.constant 0 : i32
        %dma_start3A_43 = tpu.memref_slice %arg5[%dma_start3A] : memref<12000xf32, #tpu.memory_space<vmem>> -> memref<12000xf32, #tpu.memory_space<vmem>>
        %dma_start3A_44 = arith.constant 64096 : i32
        %dma_start3A_45 = tpu.memref_slice %arg3[%dma_start3A_44] : memref<100000xf32, #tpu.memory_space<hbm>> -> memref<12000xf32, #tpu.memory_space<hbm>>
        %dma_start3A_46 = arith.constant 0 : i32
        %dma_start3A_47 = tpu.memref_slice %arg5[%dma_start3A_46] : memref<12000xf32, #tpu.memory_space<vmem>> -> memref<12000xf32, #tpu.memory_space<vmem>>
        %dma_start3A_48 = arith.constant 64096 : i32
        %dma_start3A_49 = tpu.memref_slice %arg3[%dma_start3A_48] : memref<100000xf32, #tpu.memory_space<hbm>> -> memref<12000xf32, #tpu.memory_space<hbm>>
        tpu.enqueue_dma source(%dma_start3A_49 : memref<12000xf32, #tpu.memory_space<hbm>>) target(%dma_start3A_47 : memref<12000xf32, #tpu.memory_space<vmem>>) target_semaphore(%run_scoped3A : memref<!tpu.dma_semaphore, #tpu.memory_space<semaphore_mem>>)
        %dma_wait3A = arith.constant 0 : i32
        %dma_wait3A_50 = tpu.memref_slice %arg5[%dma_wait3A] : memref<12000xf32, #tpu.memory_space<vmem>> -> memref<12000xf32, #tpu.memory_space<vmem>>
        %dma_wait3A_51 = arith.constant 64096 : i32
        %dma_wait3A_52 = tpu.memref_slice %arg3[%dma_wait3A_51] : memref<100000xf32, #tpu.memory_space<hbm>> -> memref<12000xf32, #tpu.memory_space<hbm>>
        %dma_wait3A_53 = arith.constant 0 : i32
        %dma_wait3A_54 = tpu.memref_slice %arg5[%dma_wait3A_53] : memref<12000xf32, #tpu.memory_space<vmem>> -> memref<12000xf32, #tpu.memory_space<vmem>>
        %dma_wait3A_55 = arith.constant 64096 : i32
        %dma_wait3A_56 = tpu.memref_slice %arg3[%dma_wait3A_55] : memref<100000xf32, #tpu.memory_space<hbm>> -> memref<12000xf32, #tpu.memory_space<hbm>>
        tpu.wait_dma2 semaphore(%run_scoped3A : memref<!tpu.dma_semaphore, #tpu.memory_space<semaphore_mem>>) src(%dma_wait3A_56 : memref<12000xf32, #tpu.memory_space<hbm>>) dst(%dma_wait3A_54 : memref<12000xf32, #tpu.memory_space<vmem>>)
        tpu.yield
      }) : () -> ()
      "tpu.region"() ({
        %run_scoped3A = tpu.sem_alloc : memref<!tpu.dma_semaphore, #tpu.memory_space<semaphore_mem>>
        %dma_start3A = arith.constant 0 : i32
        %dma_start3A_43 = tpu.memref_slice %arg5[%dma_start3A] : memref<12000xf32, #tpu.memory_space<vmem>> -> memref<12000xf32, #tpu.memory_space<vmem>>
        %dma_start3A_44 = arith.constant 64096 : i32
        %dma_start3A_45 = tpu.memref_slice %arg4[%dma_start3A_44] : memref<100000xf32, #tpu.memory_space<hbm>> -> memref<12000xf32, #tpu.memory_space<hbm>>
        %dma_start3A_46 = arith.constant 64096 : i32
        %dma_start3A_47 = tpu.memref_slice %arg4[%dma_start3A_46] : memref<100000xf32, #tpu.memory_space<hbm>> -> memref<12000xf32, #tpu.memory_space<hbm>>
        %dma_start3A_48 = arith.constant 0 : i32
        %dma_start3A_49 = tpu.memref_slice %arg5[%dma_start3A_48] : memref<12000xf32, #tpu.memory_space<vmem>> -> memref<12000xf32, #tpu.memory_space<vmem>>
        tpu.enqueue_dma source(%dma_start3A_49 : memref<12000xf32, #tpu.memory_space<vmem>>) target(%dma_start3A_47 : memref<12000xf32, #tpu.memory_space<hbm>>) target_semaphore(%run_scoped3A : memref<!tpu.dma_semaphore, #tpu.memory_space<semaphore_mem>>)
        %dma_wait3A = arith.constant 0 : i32
        %dma_wait3A_50 = tpu.memref_slice %arg5[%dma_wait3A] : memref<12000xf32, #tpu.memory_space<vmem>> -> memref<12000xf32, #tpu.memory_space<vmem>>
        %dma_wait3A_51 = arith.constant 64096 : i32
        %dma_wait3A_52 = tpu.memref_slice %arg4[%dma_wait3A_51] : memref<100000xf32, #tpu.memory_space<hbm>> -> memref<12000xf32, #tpu.memory_space<hbm>>
        %dma_wait3A_53 = arith.constant 64096 : i32
        %dma_wait3A_54 = tpu.memref_slice %arg4[%dma_wait3A_53] : memref<100000xf32, #tpu.memory_space<hbm>> -> memref<12000xf32, #tpu.memory_space<hbm>>
        %dma_wait3A_55 = arith.constant 0 : i32
        %dma_wait3A_56 = tpu.memref_slice %arg5[%dma_wait3A_55] : memref<12000xf32, #tpu.memory_space<vmem>> -> memref<12000xf32, #tpu.memory_space<vmem>>
        tpu.wait_dma2 semaphore(%run_scoped3A : memref<!tpu.dma_semaphore, #tpu.memory_space<semaphore_mem>>) src(%dma_wait3A_56 : memref<12000xf32, #tpu.memory_space<vmem>>) dst(%dma_wait3A_54 : memref<12000xf32, #tpu.memory_space<hbm>>)
        tpu.yield
      }) : () -> ()
    } else {
    }
    %eq3A_33 = arith.constant 7 : i32
    %eq3A_34 = arith.cmpi eq, %add3A, %eq3A_33 : i32
    %convert_element_type3A_35 = arith.extui %eq3A_34 : i1 to i32
    %cond3A_36 = arith.constant 0 : i32
    %cond3A_37 = arith.cmpi ne, %convert_element_type3A_35, %cond3A_36 : i32
    scf.if %cond3A_37 {
      "tpu.region"() ({
        %run_scoped3A = tpu.sem_alloc : memref<!tpu.dma_semaphore, #tpu.memory_space<semaphore_mem>>
        %dma_start3A = arith.constant 0 : i32
        %dma_start3A_43 = tpu.memref_slice %arg5[%dma_start3A] : memref<12000xf32, #tpu.memory_space<vmem>> -> memref<12000xf32, #tpu.memory_space<vmem>>
        %dma_start3A_44 = arith.constant 76096 : i32
        %dma_start3A_45 = tpu.memref_slice %arg3[%dma_start3A_44] : memref<100000xf32, #tpu.memory_space<hbm>> -> memref<12000xf32, #tpu.memory_space<hbm>>
        %dma_start3A_46 = arith.constant 0 : i32
        %dma_start3A_47 = tpu.memref_slice %arg5[%dma_start3A_46] : memref<12000xf32, #tpu.memory_space<vmem>> -> memref<12000xf32, #tpu.memory_space<vmem>>
        %dma_start3A_48 = arith.constant 76096 : i32
        %dma_start3A_49 = tpu.memref_slice %arg3[%dma_start3A_48] : memref<100000xf32, #tpu.memory_space<hbm>> -> memref<12000xf32, #tpu.memory_space<hbm>>
        tpu.enqueue_dma source(%dma_start3A_49 : memref<12000xf32, #tpu.memory_space<hbm>>) target(%dma_start3A_47 : memref<12000xf32, #tpu.memory_space<vmem>>) target_semaphore(%run_scoped3A : memref<!tpu.dma_semaphore, #tpu.memory_space<semaphore_mem>>)
        %dma_wait3A = arith.constant 0 : i32
        %dma_wait3A_50 = tpu.memref_slice %arg5[%dma_wait3A] : memref<12000xf32, #tpu.memory_space<vmem>> -> memref<12000xf32, #tpu.memory_space<vmem>>
        %dma_wait3A_51 = arith.constant 76096 : i32
        %dma_wait3A_52 = tpu.memref_slice %arg3[%dma_wait3A_51] : memref<100000xf32, #tpu.memory_space<hbm>> -> memref<12000xf32, #tpu.memory_space<hbm>>
        %dma_wait3A_53 = arith.constant 0 : i32
        %dma_wait3A_54 = tpu.memref_slice %arg5[%dma_wait3A_53] : memref<12000xf32, #tpu.memory_space<vmem>> -> memref<12000xf32, #tpu.memory_space<vmem>>
        %dma_wait3A_55 = arith.constant 76096 : i32
        %dma_wait3A_56 = tpu.memref_slice %arg3[%dma_wait3A_55] : memref<100000xf32, #tpu.memory_space<hbm>> -> memref<12000xf32, #tpu.memory_space<hbm>>
        tpu.wait_dma2 semaphore(%run_scoped3A : memref<!tpu.dma_semaphore, #tpu.memory_space<semaphore_mem>>) src(%dma_wait3A_56 : memref<12000xf32, #tpu.memory_space<hbm>>) dst(%dma_wait3A_54 : memref<12000xf32, #tpu.memory_space<vmem>>)
        tpu.yield
      }) : () -> ()
      "tpu.region"() ({
        %run_scoped3A = tpu.sem_alloc : memref<!tpu.dma_semaphore, #tpu.memory_space<semaphore_mem>>
        %dma_start3A = arith.constant 0 : i32
        %dma_start3A_43 = tpu.memref_slice %arg5[%dma_start3A] : memref<12000xf32, #tpu.memory_space<vmem>> -> memref<12000xf32, #tpu.memory_space<vmem>>
        %dma_start3A_44 = arith.constant 76096 : i32
        %dma_start3A_45 = tpu.memref_slice %arg4[%dma_start3A_44] : memref<100000xf32, #tpu.memory_space<hbm>> -> memref<12000xf32, #tpu.memory_space<hbm>>
        %dma_start3A_46 = arith.constant 76096 : i32
        %dma_start3A_47 = tpu.memref_slice %arg4[%dma_start3A_46] : memref<100000xf32, #tpu.memory_space<hbm>> -> memref<12000xf32, #tpu.memory_space<hbm>>
        %dma_start3A_48 = arith.constant 0 : i32
        %dma_start3A_49 = tpu.memref_slice %arg5[%dma_start3A_48] : memref<12000xf32, #tpu.memory_space<vmem>> -> memref<12000xf32, #tpu.memory_space<vmem>>
        tpu.enqueue_dma source(%dma_start3A_49 : memref<12000xf32, #tpu.memory_space<vmem>>) target(%dma_start3A_47 : memref<12000xf32, #tpu.memory_space<hbm>>) target_semaphore(%run_scoped3A : memref<!tpu.dma_semaphore, #tpu.memory_space<semaphore_mem>>)
        %dma_wait3A = arith.constant 0 : i32
        %dma_wait3A_50 = tpu.memref_slice %arg5[%dma_wait3A] : memref<12000xf32, #tpu.memory_space<vmem>> -> memref<12000xf32, #tpu.memory_space<vmem>>
        %dma_wait3A_51 = arith.constant 76096 : i32
        %dma_wait3A_52 = tpu.memref_slice %arg4[%dma_wait3A_51] : memref<100000xf32, #tpu.memory_space<hbm>> -> memref<12000xf32, #tpu.memory_space<hbm>>
        %dma_wait3A_53 = arith.constant 76096 : i32
        %dma_wait3A_54 = tpu.memref_slice %arg4[%dma_wait3A_53] : memref<100000xf32, #tpu.memory_space<hbm>> -> memref<12000xf32, #tpu.memory_space<hbm>>
        %dma_wait3A_55 = arith.constant 0 : i32
        %dma_wait3A_56 = tpu.memref_slice %arg5[%dma_wait3A_55] : memref<12000xf32, #tpu.memory_space<vmem>> -> memref<12000xf32, #tpu.memory_space<vmem>>
        tpu.wait_dma2 semaphore(%run_scoped3A : memref<!tpu.dma_semaphore, #tpu.memory_space<semaphore_mem>>) src(%dma_wait3A_56 : memref<12000xf32, #tpu.memory_space<vmem>>) dst(%dma_wait3A_54 : memref<12000xf32, #tpu.memory_space<hbm>>)
        tpu.yield
      }) : () -> ()
    } else {
    }
    %eq3A_38 = arith.constant 8 : i32
    %eq3A_39 = arith.cmpi eq, %add3A, %eq3A_38 : i32
    %convert_element_type3A_40 = arith.extui %eq3A_39 : i1 to i32
    %cond3A_41 = arith.constant 0 : i32
    %cond3A_42 = arith.cmpi ne, %convert_element_type3A_40, %cond3A_41 : i32
    scf.if %cond3A_42 {
      "tpu.region"() ({
        %run_scoped3A = tpu.sem_alloc : memref<!tpu.dma_semaphore, #tpu.memory_space<semaphore_mem>>
        %dma_start3A = arith.constant 0 : i32
        %dma_start3A_43 = tpu.memref_slice %arg5[%dma_start3A] : memref<12000xf32, #tpu.memory_space<vmem>> -> memref<11904xf32, #tpu.memory_space<vmem>>
        %dma_start3A_44 = arith.constant 88096 : i32
        %dma_start3A_45 = tpu.memref_slice %arg3[%dma_start3A_44] : memref<100000xf32, #tpu.memory_space<hbm>> -> memref<11904xf32, #tpu.memory_space<hbm>>
        %dma_start3A_46 = arith.constant 0 : i32
        %dma_start3A_47 = tpu.memref_slice %arg5[%dma_start3A_46] : memref<12000xf32, #tpu.memory_space<vmem>> -> memref<11904xf32, #tpu.memory_space<vmem>>
        %dma_start3A_48 = arith.constant 88096 : i32
        %dma_start3A_49 = tpu.memref_slice %arg3[%dma_start3A_48] : memref<100000xf32, #tpu.memory_space<hbm>> -> memref<11904xf32, #tpu.memory_space<hbm>>
        tpu.enqueue_dma source(%dma_start3A_49 : memref<11904xf32, #tpu.memory_space<hbm>>) target(%dma_start3A_47 : memref<11904xf32, #tpu.memory_space<vmem>>) target_semaphore(%run_scoped3A : memref<!tpu.dma_semaphore, #tpu.memory_space<semaphore_mem>>)
        %dma_wait3A = arith.constant 0 : i32
        %dma_wait3A_50 = tpu.memref_slice %arg5[%dma_wait3A] : memref<12000xf32, #tpu.memory_space<vmem>> -> memref<11904xf32, #tpu.memory_space<vmem>>
        %dma_wait3A_51 = arith.constant 88096 : i32
        %dma_wait3A_52 = tpu.memref_slice %arg3[%dma_wait3A_51] : memref<100000xf32, #tpu.memory_space<hbm>> -> memref<11904xf32, #tpu.memory_space<hbm>>
        %dma_wait3A_53 = arith.constant 0 : i32
        %dma_wait3A_54 = tpu.memref_slice %arg5[%dma_wait3A_53] : memref<12000xf32, #tpu.memory_space<vmem>> -> memref<11904xf32, #tpu.memory_space<vmem>>
        %dma_wait3A_55 = arith.constant 88096 : i32
        %dma_wait3A_56 = tpu.memref_slice %arg3[%dma_wait3A_55] : memref<100000xf32, #tpu.memory_space<hbm>> -> memref<11904xf32, #tpu.memory_space<hbm>>
        tpu.wait_dma2 semaphore(%run_scoped3A : memref<!tpu.dma_semaphore, #tpu.memory_space<semaphore_mem>>) src(%dma_wait3A_56 : memref<11904xf32, #tpu.memory_space<hbm>>) dst(%dma_wait3A_54 : memref<11904xf32, #tpu.memory_space<vmem>>)
        tpu.yield
      }) : () -> ()
      "tpu.region"() ({
        %run_scoped3A = tpu.sem_alloc : memref<!tpu.dma_semaphore, #tpu.memory_space<semaphore_mem>>
        %dma_start3A = arith.constant 0 : i32
        %dma_start3A_43 = tpu.memref_slice %arg5[%dma_start3A] : memref<12000xf32, #tpu.memory_space<vmem>> -> memref<11904xf32, #tpu.memory_space<vmem>>
        %dma_start3A_44 = arith.constant 88096 : i32
        %dma_start3A_45 = tpu.memref_slice %arg4[%dma_start3A_44] : memref<100000xf32, #tpu.memory_space<hbm>> -> memref<11904xf32, #tpu.memory_space<hbm>>
        %dma_start3A_46 = arith.constant 88096 : i32
        %dma_start3A_47 = tpu.memref_slice %arg4[%dma_start3A_46] : memref<100000xf32, #tpu.memory_space<hbm>> -> memref<11904xf32, #tpu.memory_space<hbm>>
        %dma_start3A_48 = arith.constant 0 : i32
        %dma_start3A_49 = tpu.memref_slice %arg5[%dma_start3A_48] : memref<12000xf32, #tpu.memory_space<vmem>> -> memref<11904xf32, #tpu.memory_space<vmem>>
        tpu.enqueue_dma source(%dma_start3A_49 : memref<11904xf32, #tpu.memory_space<vmem>>) target(%dma_start3A_47 : memref<11904xf32, #tpu.memory_space<hbm>>) target_semaphore(%run_scoped3A : memref<!tpu.dma_semaphore, #tpu.memory_space<semaphore_mem>>)
        %dma_wait3A = arith.constant 0 : i32
        %dma_wait3A_50 = tpu.memref_slice %arg5[%dma_wait3A] : memref<12000xf32, #tpu.memory_space<vmem>> -> memref<11904xf32, #tpu.memory_space<vmem>>
        %dma_wait3A_51 = arith.constant 88096 : i32
        %dma_wait3A_52 = tpu.memref_slice %arg4[%dma_wait3A_51] : memref<100000xf32, #tpu.memory_space<hbm>> -> memref<11904xf32, #tpu.memory_space<hbm>>
        %dma_wait3A_53 = arith.constant 88096 : i32
        %dma_wait3A_54 = tpu.memref_slice %arg4[%dma_wait3A_53] : memref<100000xf32, #tpu.memory_space<hbm>> -> memref<11904xf32, #tpu.memory_space<hbm>>
        %dma_wait3A_55 = arith.constant 0 : i32
        %dma_wait3A_56 = tpu.memref_slice %arg5[%dma_wait3A_55] : memref<12000xf32, #tpu.memory_space<vmem>> -> memref<11904xf32, #tpu.memory_space<vmem>>
        tpu.wait_dma2 semaphore(%run_scoped3A : memref<!tpu.dma_semaphore, #tpu.memory_space<semaphore_mem>>) src(%dma_wait3A_56 : memref<11904xf32, #tpu.memory_space<vmem>>) dst(%dma_wait3A_54 : memref<11904xf32, #tpu.memory_space<hbm>>)
        tpu.yield
      }) : () -> ()
    } else {
    }
    return
  }
}

module attributes {stable_mosaic.version = 14 : i64} {
  func.func @_mem_body(%arg0: i32, %arg1: memref<4096x512xf32, #tpu.memory_space<vmem>>, %arg2: memref<4096x512xf32, #tpu.memory_space<vmem>>, %arg3: memref<4096x512xf32, #tpu.memory_space<vmem>>) attributes {dimension_semantics = [#tpu.dimension_semantics<arbitrary>], iteration_bounds = array<i64: 25>, scalar_prefetch = 0 : i64, scratch_operands = 0 : i64, tpu.core_type = #tpu.core_type<tc>, window_params = [{transform_indices = @transform_0, window_bounds = array<i64: 4096, 512>}, {transform_indices = @transform_1, window_bounds = array<i64: 4096, 512>}, {transform_indices = @transform_2, window_bounds = array<i64: 4096, 512>}]} {
    %lt3A = arith.constant 1 : i32
    %lt3A_0 = arith.cmpi slt, %arg0, %lt3A : i32
    %convert_element_type3A = arith.extui %lt3A_0 : i1 to i32
    %cond3A = arith.constant 0 : i32
    %cond3A_1 = arith.cmpi ne, %convert_element_type3A, %cond3A : i32
    scf.if %cond3A_1 {
      %get3A = arith.constant 0 : index
      %get3A_6 = arith.constant 0 : index
      %get3A_7 = vector.load %arg1[%get3A, %get3A_6] : memref<4096x512xf32, #tpu.memory_space<vmem>>, vector<4096x512xf32>
      %swap3A = arith.constant 0 : index
      %swap3A_8 = arith.constant 0 : index
      %swap3A_9 = vector.load %arg3[%swap3A, %swap3A_8] : memref<4096x512xf32, #tpu.memory_space<vmem>>, vector<4096x512xf32>
      tpu.vector_store %arg3[%swap3A, %swap3A_8], %get3A_7 {strides = array<i32>} : memref<4096x512xf32, #tpu.memory_space<vmem>>, vector<4096x512xf32>,
    } else {
    }
    %ge3A = arith.constant 1 : i32
    %ge3A_2 = arith.cmpi sge, %arg0, %ge3A : i32
    %convert_element_type3A_3 = arith.extui %ge3A_2 : i1 to i32
    %cond3A_4 = arith.constant 0 : i32
    %cond3A_5 = arith.cmpi ne, %convert_element_type3A_3, %cond3A_4 : i32
    scf.if %cond3A_5 {
      %get3A = arith.constant 0 : index
      %get3A_6 = arith.constant 0 : index
      %get3A_7 = vector.load %arg2[%get3A, %get3A_6] : memref<4096x512xf32, #tpu.memory_space<vmem>>, vector<4096x512xf32>
      %swap3A = arith.constant 0 : index
      %swap3A_8 = arith.constant 0 : index
      %swap3A_9 = vector.load %arg3[%swap3A, %swap3A_8] : memref<4096x512xf32, #tpu.memory_space<vmem>>, vector<4096x512xf32>
      tpu.vector_store %arg3[%swap3A, %swap3A_8], %get3A_7 {strides = array<i32>} : memref<4096x512xf32, #tpu.memory_space<vmem>>, vector<4096x512xf32>,
    } else {
    }
    return
  }
  func.func @transform_0(%arg0: i32) -> (i32, i32) {
    %min3A = arith.constant 0 : i32
    %min3A_0 = arith.minsi %arg0, %min3A : i32
    %c0_i32 = arith.constant 0 : i32
    %c0_i32_1 = arith.constant 0 : i32
    return %min3A_0, %c0_i32 : i32, i32
  }
  func.func @transform_1(%arg0: i32) -> (i32, i32) {
    %max3A = arith.constant 1 : i32
    %max3A_0 = arith.maxsi %arg0, %max3A : i32
    %c0_i32 = arith.constant 0 : i32
    %c0_i32_1 = arith.constant 0 : i32
    return %max3A_0, %c0_i32 : i32, i32
  }
  func.func @transform_2(%arg0: i32) -> (i32, i32) {
    %c0_i32 = arith.constant 0 : i32
    %c0_i32_0 = arith.constant 0 : i32
    return %arg0, %c0_i32 : i32, i32
  }
}

</mosaic_0001>

<sc_bundles>
// kernel: kernel.4.cloned.1.call-start
scs
__scs_entry_jumppad:
0x0: {  	(pc) =	sbr.rel $0x88, $3  }
0x1: {  	(tag) =	ssettag $0x0;
	lr =	simm.s32 $0x1  }
0x2: {  	[smem:$0x3F9D] =	sst lr;
	_ =	strace $0xD0000000  }
0x3: {  	_ = 	snop  }
0x4: {  	_ = 	snop  }
0x5: {  	_ = 	snop  }
0x6: {  	_ = 	snop  }
0x7: {  	_ = 	snop  }
__scs_overlays_trampoline_lowered:
0x8: {  	[smem:$0x3FAC] =	sst s0  }
0x9: {  	[smem:$0x3FAD] =	sst s1  }
0xa: {  	[smem:$0x3FAE] =	sst s2  }
0xb: {  	[smem:$0x3FAF] =	sst s3  }
0xc: {  	[smem:$0x3FB0] =	sst s4  }
0xd: {  	[smem:$0x3FB1] =	sst s5  }
0xe: {  	[smem:$0x3FB2] =	sst s6  }
0xf: {  	[smem:$0x3FB3] =	sst s7  }
0x10: {  	[smem:$0x3FB4] =	sst s8  }
0x11: {  	[smem:$0x3FB5] =	sst s9;
	s0 =	simm.s32 @!p0 $0x0  }
0x12: {  	s1 =	sld [smem:$0x3F9B];
	s0 =	simm.s32 @p0 $0x1  }
0x13: {  	[smem:$0x3FB6] =	sst s0;
	s0 =	simm.s32 @!p1 $0x0  }
0x14: {  	s2 =	sld [smem:$0x3F9A];
	s0 =	simm.s32 @p1 $0x1  }
0x15: {  	[smem:$0x3FB7] =	sst s0;
	s0 =	simm.s32 @!p2 $0x0  }
0x16: {  	s3 =	sld [smem:$0x3FDB];
	s0 =	simm.s32 @p2 $0x1  }
0x17: {  	s4 =	simm.s32 $0x1BF5;
	[smem:$0x3FB9] =	sst s0  }
0x18: {  	s0 =	sld [smem:$0x3F9C];
	_ =	swait.ge [sflag:s4], $0x0  }
0x19: {  	s7 =	sld [smem:$0x3F9D]  }
0x1a: {  	s8 =	sadd.s32 $0xFFFFE003, lr  }
0x1b: {  	s9 =	sadd.s32 $0xFFFFFEF7, lr;
	s5 =	simm.s32 $0xFFFFFFFF;
	p2 =	slt.u32 s8, $0xFFFFF086  }
0x1c: {  	p1 =	slt.u32 s9, $0xF7A;
	s5 =	simm.s32 @!p2 $0x0  }
0x1d: {  	s5 =	simm.s32 @p1 $0x1;
	p0 =	seq.s32 s7, s2  }
0x1e: {  	s7 =	smul.u32 @!p0 $0xF7A, s2;
	p2 =	seq.s32 @!p0 s5, $0x0  }
0x1f: {  	s9 =	smul.u32 $0xF7A, s1;
	s8 =	simm.s32 @!p0 $0x1BF5;
	p2 =	por !p2, p0  }
0x20: {  	[sflag:s8] =	ssyncset.s32 @!p0 $0xFFFFF086;
	s6 =	sadd.s32 @!p0 s3, s7;
	s7 =	simm.s32 @!p0 $0x108  }
0x21: {  	s3 =	sadd.s32 s3, s9;
	s6 =	sadd.s32 @!p0 $0x88, s6;
	s7 =	simm.s32 @p2 $0x1082  }
0x22: {  	[simem:s7], [sflag:s8] =	dma.local @!p0 [hbm:s6], $0xF7A  }
0x23: {  	s9 =	sor.u32 $0xD0000000, s2;
	s6 =	simm.s32 $0x108;
	_ =	swait.ge @!p0 [sflag:s8], $0x0  }
0x24: {  	s3 =	sadd.s32 $0x88, s3;
	s6 =	simm.s32 @!p1 $0x1082;
	[sflag:s4] =	ssyncset.s32 $0xFFFFF086  }
0x25: {  	[simem:s6], [sflag:s4] =	dma.local [hbm:s3], $0xF7A  }
0x26: {  	[smem:$0x3F9D] =	sst s1;
	(tag) =	ssettag s2;
	_ =	strace s9  }
0x27: {  	s1 =	sld [smem:$0x3FAD]  }
0x28: {  	s2 =	sld [smem:$0x3FAE]  }
0x29: {  	s4 =	sld [smem:$0x3FB0]  }
0x2a: {  	p0 =	seq.s32 s5, $0x0;
	s5 =	sld [smem:$0x3FB1]  }
0x2b: {  	s6 =	sld [smem:$0x3FB2]  }
0x2c: {  	s7 =	sld [smem:$0x3FB3]  }
0x2d: {  	s3 =	simm.s32 $0x108;
	s8 =	sld [smem:$0x3FB4]  }
0x2e: {  	s3 =	simm.s32 @!p0 $0x1082;
	s9 =	sld [smem:$0x3FB5]  }
0x2f: {  	lr =	sadd.s32 s0, s3;
	s0 =	sld [smem:$0x3FAC]  }
0x30: {  	s3 =	sld [smem:$0x3FAF]  }
0x31: {  	[smem:$0x3FB8] =	sst s10  }
0x32: {  	s10 =	sld [smem:$0x3FB6];
	_ =	sdelay $0x3  }
0x33: {  	p0 =	seq.s32 s10, $0x1;
	s10 =	sld [smem:$0x3FB8];
	_ =	sdelay $0x3  }
0x34: {  	[smem:$0x3FB8] =	sst s10  }
0x35: {  	s10 =	sld [smem:$0x3FB7];
	_ =	sdelay $0x3  }
0x36: {  	p1 =	seq.s32 s10, $0x1;
	s10 =	sld [smem:$0x3FB8];
	_ =	sdelay $0x3  }
0x37: {  	[smem:$0x3FB8] =	sst s10  }
0x38: {  	s10 =	sld [smem:$0x3FB9]  }
0x39: {  	_ = 	snop;
	(pc) =	sbr.ind lr, $3  }
0x3a: {  	_ = 	snop  }
0x3b: {  	_ = 	snop  }
0x3c: {  	p2 =	seq.s32 s10, $0x1;
	s10 =	sld [smem:$0x3FB8]  }
0x3d: {  	_ =	shalt  }
0x3e: {  	_ =	shalt  }
0x3f: {  	_ =	shalt  }
0x40: {  	_ =	shalt  }
0x41: {  	_ =	shalt  }
0x42: {  	_ =	shalt  }
0x43: {  	_ =	shalt  }
0x44: {  	_ =	shalt  }
0x45: {  	_ =	shalt  }
0x46: {  	_ =	shalt  }
0x47: {  	_ =	shalt  }
0x48: {  	_ =	shalt  }
0x49: {  	_ =	shalt  }
0x4a: {  	_ =	shalt  }
0x4b: {  	_ =	shalt  }
0x4c: {  	_ =	shalt  }
0x4d: {  	_ =	shalt  }
0x4e: {  	_ =	shalt  }
0x4f: {  	_ =	shalt  }
0x50: {  	_ =	shalt  }
0x51: {  	_ =	shalt  }
0x52: {  	_ =	shalt  }
0x53: {  	_ =	shalt  }
0x54: {  	_ =	shalt  }
0x55: {  	_ =	shalt  }
0x56: {  	_ =	shalt  }
0x57: {  	_ =	shalt  }
0x58: {  	_ =	shalt  }
0x59: {  	_ =	shalt  }
0x5a: {  	_ =	shalt  }
0x5b: {  	_ =	shalt  }
0x5c: {  	_ =	shalt  }
0x5d: {  	_ =	shalt  }
0x5e: {  	_ =	shalt  }
0x5f: {  	_ =	shalt  }
0x60: {  	_ =	shalt  }
0x61: {  	_ =	shalt  }
0x62: {  	_ =	shalt  }
0x63: {  	_ =	shalt  }
0x64: {  	_ =	shalt  }
0x65: {  	_ =	shalt  }
0x66: {  	_ =	shalt  }
0x67: {  	_ =	shalt  }
0x68: {  	_ =	shalt  }
0x69: {  	_ =	shalt  }
0x6a: {  	_ =	shalt  }
0x6b: {  	_ =	shalt  }
0x6c: {  	_ =	shalt  }
0x6d: {  	_ =	shalt  }
0x6e: {  	_ =	shalt  }
0x6f: {  	_ =	shalt  }
0x70: {  	_ =	shalt  }
0x71: {  	_ =	shalt  }
0x72: {  	_ =	shalt  }
0x73: {  	_ =	shalt  }
0x74: {  	_ =	shalt  }
0x75: {  	_ =	shalt  }
0x76: {  	_ =	shalt  }
0x77: {  	_ =	shalt  }
0x78: {  	_ =	shalt  }
0x79: {  	_ =	shalt  }
0x7a: {  	_ =	shalt  }
0x7b: {  	_ =	shalt  }
0x7c: {  	_ =	shalt  }
0x7d: {  	_ =	shalt  }
0x7e: {  	_ =	shalt  }
0x7f: {  	_ =	shalt  }
0x80: {  	_ =	shalt  }
0x81: {  	_ =	shalt  }
0x82: {  	_ =	shalt  }
0x83: {  	_ =	shalt  }
0x84: {  	_ =	shalt  }
0x85: {  	_ =	shalt  }
0x86: {  	_ =	shalt  }
0x87: {  	_ =	shalt  }
.Lfunc_end0:
.L_simem_size_0:
called_computation_lowered:
.L_overlay_start_0:
0x88: {  	s2 =	sld [smem:$0x3FD9]  }
0x89: {  	s3 =	sld [smem:$0x3FFE];
	_ =	sdelay $0x1  }
0x8a: {  	s1 =	srdreg.scid  }
0x8b: {  	s0 =	sand.u32 $0x1, s1  }
0x8c: {  	s15 =	sshll.u32 s0, $0xA;
	s2 =	sadd.s32 s3, s2  }
0x8d: {  	s2 =	sadd.s32 s2, s15  }
0x8e: {  	[smem:$0x3FC4] =	sst s2  }
0x8f: {  	_ = 	snop  }
0x90: {  	s2 =	sld [smem:$0x3FD0];
	_ =	sdelay $0x1  }
0x91: {  	s16 =	sld [smem:$0x3FC8]  }
0x92: {  	s5 =	simm.s32 $0xA;
	s6 =	simm.s32 $0x10;
	s4 =	sld [smem:$0x3FC6]  }
0x93: {  	[smem:s6], [sflag:s5] =	dma.local [hbm:s2], $0x1  }
0x94: {  	_ =	swait.eq [sflag:s5], $0x1  }
0x95: {  	[sflag:s5] =	ssyncset.done $0x0  }
0x96: {  	[sflag:s5] =	ssyncadd.s32 $0xFFFFFFFF  }
0x97: {  	s17 =	sld [smem:$0x11];
	(tm) =	ssettm $0x1  }
0x98: {  	s18 =	sld [smem:$0x3FFB];
	_ =	sdelay $0x3  }
0x99: {  	_ =	strace s18  }
0x9a: {  	s5 =	sld [smem:$0x3FFC];
	_ =	sdelay $0x3  }
0x9b: {  	_ =	strace s5  }
0x9c: {  	s5 =	sld [smem:$0x3FFD];
	_ =	sdelay $0x3  }
0x9d: {  	_ =	strace s5  }
0x9e: {  	_ =	strace $0x8FFFFFFF  }
0x9f: {  	s19 =	sld [smem:$0x3FDB];
	_ =	sdelay $0x1  }
0xa0: {  	s20 =	simm.s32 $_scs_section_size  }
0xa1: {  	s7 =	simm.s32 $_size__tile_overlayer_lowered;
	s8 =	simm.s32 $_tile_overlayer_lowered  }
0xa2: {  	s23 =	simm.s32 $0x1BFF;
	s22 =	sshll.u32 s8, $0x1;
	s5 =	sadd.s32 s20, s19  }
0xa3: {  	s9 =	simm.s32 $0x0;
	s21 =	sshll.u32 s7, $0x1;
	s7 =	sadd.s32 s22, s5  }
0xa4: {  	[timem:s9], [sflag:s23] =	dma.local [hbm:s7], s21  }
0xa5: {  	_ =	swait.ge [sflag:s23], s21  }
0xa6: {  	s6 =	ssub.s32 $0x0, s21;
	[sflag:s23] =	ssyncset.done $0x0  }
0xa7: {  	[sflag:s23] =	ssyncadd.s32 s6;
	_ =	sdelay $0x1  }
0xa8: {  	s24 =	simm.s32 $0x1B8B  }
0xa9: {  	_ =	swait.ge [sflag:s24], $0x1  }
0xaa: {  	[sflag:s24] =	ssyncset.done $0x0  }
0xab: {  	s25 =	simm.s32 $0x1B8E;
	[sflag:s24] =	ssyncadd.s32 $0xFFFFFFFF  }
0xac: {  	s26 =	simm.s32 $execute0_lowered;
	[smem:$0x3FD2] =	sst s25  }
0xad: {  	s6 =	sshll.u32 s26, $0x1;
	_ =	strace $0x80000046;
	[dreg:$0x1] =	wrdreg $0xFFFFFFFF  }
0xae: {  	s28 =	simm.s32 $_size_execute0_lowered;
	s5 =	sadd.s32 s5, s6;
	[dreg:$0x0] =	wrdreg $0x0  }
0xaf: {  	s6 =	sshll.u32 s28, $0x1;
	[dreg:$0x2] =	wrdreg s5  }
0xb0: {  	[dreg:$0x3] =	wrdreg s6  }
0xb1: {  	[dreg:$0x4] =	wrdreg $0xC0  }
0xb2: {  	_ =	task [dreg:s9], $0x5FFFF  }
0xb3: {  	[dreg:$0x1] =	wrdreg $0xFFFFFFFF  }
0xb4: {  	[dreg:$0x0] =	wrdreg $0x60  }
0xb5: {  	[dreg:$0x2] =	wrdreg s16  }
0xb6: {  	[dreg:$0x3] =	wrdreg s4  }
0xb7: {  	[dreg:$0x4] =	wrdreg s17  }
0xb8: {  	[dreg:$0x5] =	wrdreg $0x9  }
0xb9: {  	_ =	task.clear_ibuf [dreg:s9], $0x6FFFF;
	_ =	strace $0x90000046  }
0xba: {  	s29 =	simm.s32 $0x9;
	_ =	strace $0x80000048  }
0xbb: {  	_ =	swait.ge [sflag:s29], $0x1  }
0xbc: {  	[sflag:s29] =	ssyncadd.s32 $0xFFFFFFFF  }
0xbd: {  	_ =	strace $0x90000048  }
0xbe: {  	_ =	sfence  }
0xbf: {  	s30 =	sld [smem:$0x0];
	_ =	sdelay $0x2  }
0xc0: {  	s31 =	sshll.u32 s1, $0xD;
	s1 =	sshrl.u32 s1, $0x2  }
0xc1: {  	s3 =	sand.u32 $0x4000, s31;
	s1 =	sadd.s32 s1, s30  }
0xc2: {  	s0 =	sor.u32 s3, s0;
	s1 =	sshll.u32 s1, $0x11  }
0xc3: {  	s0 =	sor.u32 s1, s0  }
0xc4: {  	s0 =	sadd.s32 $0x8F2B, s0  }
0xc5: {  	[sflag:s0] =	ssyncadd.remote.s32 $0x1  }
0xc6: {  	_ =	sfence.sel $0xFFFF  }
0xc7: {  	[dreg:$0x0] =	wrdreg $0xFFFFFFFF;
	(pc) =	sbr.abs _section_cstart, $3  }
0xc8: {  	[dreg:$0x1] =	wrdreg $0xFFFFFFFF  }
0xc9: {  	_ =	task.clear_ibuf [dreg:s9], $0x2FFFF;
	_ =	strace $0x9FFFFFFF  }
0xca: {  	(tm) =	ssettm $0x7FFFFFFF  }
0xcb: {  	_ =	shalt  }
tec
execute0_lowered:
.L_overlay_start_1:
0x0: {  	(tag) =	ssettag $0x1  }
0x1: {  	s1 =	srdreg.scid;
	s0 =	stileid.u32  }
0x2: {  	s4 =	sand.u32 $0x1, s1;
	s24 =	sshll.u32 s0, $0x1  }
0x3: {  	s21 =	sor.u32 s4, s24  }
0x4: {  	p3 =	sgt.s32 s21, $0x1  }
0x5: {  	p2 =	seq.s32 @p3 s21, $0x2  }
0x6: {  	p0 =	por p2, !p3  }
0x7: {  	p0 =	seq.s32 @!p0 s21, $0x3  }
0x8: {  	p1 =	sgt.s32 s21, $0x5;
	p0 =	por @p3 !p0, p2  }
0x9: {  	p4 =	seq.s32 @p1 s21, $0x6;
	s2 =	simm.s32 @!p0 $0x0  }
0xa: {  	p6 =	por p4, !p1;
	p2 =	por !p2, !p3;
	s2 =	simm.s32 @p0 $0x1  }
0xb: {  	p0 =	seq.s32 @!p3 s21, $0x0;
	[smem:$0x7F5] =	sst s2;
	s2 =	simm.s32 @!p2 $0x0  }
0xc: {  	s2 =	simm.s32 @p2 $0x1;
	p2 =	por p0, p3;
	s25 =	sld [smem:$0x7F5]  }
0xd: {  	p5 =	seq.s32 @!p6 s21, $0x7;
	[smem:$0x7F4] =	sst s2;
	s2 =	simm.s32 @!p2 $0x0  }
0xe: {  	s2 =	simm.s32 @p2 $0x1;
	p2 =	por @p1 p5, p4  }
0xf: {  	[smem:$0x7F7] =	sst s2;
	s2 =	simm.s32 @!p2 $0x0  }
0x10: {  	s2 =	simm.s32 @p2 $0x1;
	p2 =	seq.s32 s25, $0x1;
	s26 =	sld [smem:$0x7F7]  }
0x11: {  	p2 =	por p2, !p3  }
0x12: {  	[smem:$0x7F8] =	sst s2;
	s2 =	simm.s32 @!p2 $0x0  }
0x13: {  	s28 =	sld [smem:$0x7F8];
	s2 =	simm.s32 @p2 $0x1;
	p2 =	seq.s32 s26, $0x1  }
0x14: {  	p2 =	seq.s32 @!p2 s21, $0x1  }
0x15: {  	[smem:$0x7F6] =	sst s2;
	s2 =	simm.s32 @!p2 $0x0  }
0x16: {  	s2 =	simm.s32 @p2 $0x1;
	p2 =	seq.s32 s28, $0x1  }
0x17: {  	[smem:$0x7F9] =	sst s2;
	p2 =	por p2, !p1  }
0x18: {  	s2 =	simm.s32 @!p2 $0x0;
	s29 =	sld [smem:$0x7F9]  }
0x19: {  	s2 =	simm.s32 @p2 $0x1  }
0x1a: {  	[smem:$0x7FB] =	sst s2  }
0x1b: {  	p2 =	seq.s32 s29, $0x1;
	s30 =	sld [smem:$0x7FB]  }
0x1c: {  	s18 =	rddreg [dreg:$0x1];
	p2 =	por @!p3 !p2, p0;
	p0 =	por !p0, p3  }
0x1d: {  	s3 =	rddreg [dreg:$0x2];
	s5 =	simm.s32 $0x0;
	s2 =	simm.s32 @!p0 $0x0  }
0x1e: {  	s1 =	rddreg [dreg:$0x0];
	s2 =	simm.s32 @p0 $0x1;
	p0 =	seq.s32 s30, $0x1  }
0x1f: {  	[smem:$0x7FF] =	sst s5;
	s5 =	sadd.s32 $0x2B04, s3;
	p0 =	seq.s32 @!p0 s21, $0x8  }
0x20: {  	s7 =	sadd.s32 $0x2528, s3;
	p6 =	por @!p6 !p0, p5;
	p0 =	seq.s32 @!p1 s21, $0x4  }
0x21: {  	p3 =	por p2, p3;
	p2 =	por @p1 p6, p4;
	p6 =	por p0, p1  }
0x22: {  	s8 =	sadd.s32 $0x1F4C, s18;
	s9 =	sadd.s32 $0x1F4C, s3;
	p6 =	seq.s32 @!p6 s21, $0x5  }
0x23: {  	s10 =	sadd.s32 $0x1970, s18;
	s11 =	sadd.s32 $0x1970, s3;
	s6 =	simm.s32 @!p6 $0x0  }
0x24: {  	s12 =	sadd.s32 $0x1394, s18;
	s13 =	sadd.s32 $0x1394, s3;
	s6 =	simm.s32 @p6 $0x1  }
0x25: {  	s14 =	sadd.s32 $0xDB8, s18;
	s15 =	sadd.s32 $0xDB8, s3;
	[smem:$0x7FC] =	sst s6  }
0x26: {  	s16 =	sadd.s32 $0x7DC, s18;
	s4 =	ssub.s32 $0x2, s4;
	s6 =	sld [smem:$0x7FC]  }
0x27: {  	s17 =	sadd.s32 $0x7DC, s3;
	s19 =	sadd.s32 $0x200, s3;
	s31 =	sshrl.u32 s4, $0x1  }
0x28: {  	s20 =	ssub.s32 s4, s31;
	s4 =	sadd.s32 $0x2B04, s18;
	p5 =	por @p1 !p5, p4  }
0x29: {  	p4 =	por !p4, !p1;
	p6 =	por p2, !p1;
	p2 =	seq.s32 s6, $0x1  }
.Ltmp0:
0x2a: {  	p5 =	por p5, !p1;
	p2 =	por @!p1 !p2, p0;
	(pc) =	sbr.rel .LBB2_1-.Ltmp0, $4  }
0x2b: {  	p0 =	por !p0, p1;
	p1 =	por p2, p1;
	p2 =	sgt.s32 s21, $0x3  }
0x2c: {  	s20 =	smax.u32 s20, $0x1;
	[smem:$0x7FA] =	sst s2;
	s21 =	simm.s32 @!p2 $0x0  }
0x2d: {  	s2 =	rddreg [dreg:$0x3];
	_ =	strace $0x80000047;
	s21 =	simm.s32 @p2 $0x1  }
0x2e: {  	s6 =	sadd.s32 $0x2528, s18;
	s18 =	sadd.s32 $0x200, s18;
	[smem:$0x7FD] =	sst s21  }
.LBB2_3:
0x2f: {  	s21 =	simm.s32 @!p4 $0x0;
	s22 =	simm.s32 @!p4 $0x1  }
0x30: {  	[tilespmem:s21], [sflag:$0x1] =	stream.linear.gather @!p4 [hbm4b:s8+s21], $0x2EE0, $0x38;
	[tilespmem:$0x2F00] =	vst v63  }
0x31: {  	_ =	swait.ge @!p4 [sflag:s22], $0x2EE0  }
0x32: {  	[sflag:s22] =	ssyncset.done @!p4 $0x0  }
0x33: {  	[sflag:s22] =	ssyncadd.s32 @!p4 $0xFFFFD120  }
0x34: {  	[hbm4b:s9+s21] =	stream.linear.scatter @!p4 [tilespmem:s21], [sflag:$0x1], $0x2EE0, $0x38;
	[tilespmem:$0x2F00] =	vst v63  }
0x35: {  	_ =	swait.ge @!p4 [sflag:s22], $0x2EE0  }
0x36: {  	[sflag:s22] =	ssyncset.done @!p4 $0x0  }
0x37: {  	s21 =	simm.s32 @!p5 $0x0;
	[sflag:s22] =	ssyncadd.s32 @!p4 $0xFFFFD120;
	s22 =	simm.s32 @!p5 $0x1  }
0x38: {  	[tilespmem:s21], [sflag:$0x1] =	stream.linear.gather @!p5 [hbm4b:s6+s21], $0x2EE0, $0x38;
	[tilespmem:$0x2F00] =	vst v63  }
0x39: {  	_ =	swait.ge @!p5 [sflag:s22], $0x2EE0  }
0x3a: {  	[sflag:s22] =	ssyncset.done @!p5 $0x0  }
0x3b: {  	[sflag:s22] =	ssyncadd.s32 @!p5 $0xFFFFD120  }
0x3c: {  	[hbm4b:s7+s21] =	stream.linear.scatter @!p5 [tilespmem:s21], [sflag:$0x1], $0x2EE0, $0x38;
	[tilespmem:$0x2F00] =	vst v63  }
0x3d: {  	_ =	swait.ge @!p5 [sflag:s22], $0x2EE0  }
0x3e: {  	[sflag:s22] =	ssyncset.done @!p5 $0x0  }
0x3f: {  	s21 =	simm.s32 @!p6 $0x0;
	[sflag:s22] =	ssyncadd.s32 @!p5 $0xFFFFD120;
	s22 =	simm.s32 @!p6 $0x1  }
0x40: {  	[tilespmem:s21], [sflag:$0x1] =	stream.linear.gather @!p6 [hbm4b:s4+s21], $0x2E80, $0x38;
	[tilespmem:$0x2F00] =	vst v63  }
0x41: {  	_ =	swait.ge @!p6 [sflag:s22], $0x2E80  }
0x42: {  	[sflag:s22] =	ssyncset.done @!p6 $0x0  }
0x43: {  	[sflag:s22] =	ssyncadd.s32 @!p6 $0xFFFFD180  }
0x44: {  	[hbm4b:s5+s21] =	stream.linear.scatter @!p6 [tilespmem:s21], [sflag:$0x1], $0x2E80, $0x38;
	[tilespmem:$0x2F00] =	vst v63  }
0x45: {  	_ =	swait.ge @!p6 [sflag:s22], $0x2E80  }
0x46: {  	[sflag:s22] =	ssyncset.done @!p6 $0x0  }
0x47: {  	s21 =	simm.s32 @!p0 $0x0;
	[sflag:s22] =	ssyncadd.s32 @!p6 $0xFFFFD180;
	s22 =	simm.s32 @!p0 $0x1  }
0x48: {  	[tilespmem:s21], [sflag:$0x1] =	stream.linear.gather @!p0 [hbm4b:s12+s21], $0x2EE0, $0x38;
	[tilespmem:$0x2F00] =	vst v63  }
0x49: {  	_ =	swait.ge @!p0 [sflag:s22], $0x2EE0  }
0x4a: {  	[sflag:s22] =	ssyncset.done @!p0 $0x0  }
0x4b: {  	[sflag:s22] =	ssyncadd.s32 @!p0 $0xFFFFD120  }
0x4c: {  	[hbm4b:s13+s21] =	stream.linear.scatter @!p0 [tilespmem:s21], [sflag:$0x1], $0x2EE0, $0x38;
	[tilespmem:$0x2F00] =	vst v63  }
0x4d: {  	_ =	swait.ge @!p0 [sflag:s22], $0x2EE0  }
0x4e: {  	[sflag:s22] =	ssyncset.done @!p0 $0x0  }
0x4f: {  	s21 =	simm.s32 @!p1 $0x0;
	[sflag:s22] =	ssyncadd.s32 @!p0 $0xFFFFD120;
	s22 =	simm.s32 @!p1 $0x1  }
0x50: {  	[tilespmem:s21], [sflag:$0x1] =	stream.linear.gather @!p1 [hbm4b:s10+s21], $0x2EE0, $0x38;
	[tilespmem:$0x2F00] =	vst v63  }
0x51: {  	_ =	swait.ge @!p1 [sflag:s22], $0x2EE0  }
0x52: {  	[sflag:s22] =	ssyncset.done @!p1 $0x0  }
0x53: {  	[sflag:s22] =	ssyncadd.s32 @!p1 $0xFFFFD120  }
0x54: {  	[hbm4b:s11+s21] =	stream.linear.scatter @!p1 [tilespmem:s21], [sflag:$0x1], $0x2EE0, $0x38;
	[tilespmem:$0x2F00] =	vst v63  }
0x55: {  	_ =	swait.ge @!p1 [sflag:s22], $0x2EE0  }
0x56: {  	[sflag:s22] =	ssyncset.done @!p1 $0x0  }
0x57: {  	[sflag:s22] =	ssyncadd.s32 @!p1 $0xFFFFD120  }
.LBB2_4:
0x58: {  	s20 =	sadd.s32 $0xFFFFFFFF, s20  }
0x59: {  	p2 =	sne.s32 s20, $0x0  }
.Ltmp1:
0x5a: {  	_ = 	snop;
	(pc) =	sbr.rel @!p2 .LBB2_5-.Ltmp1, $1  }
0x5b: {  	_ =	sdelay $0x3  }
.LBB2_1:
0x5c: {  	s21 =	sld [smem:$0x7FD];
	_ =	sdelay $0x2  }
0x5d: {  	p2 =	seq.s32 s21, $0x1  }
.Ltmp2:
0x5e: {  	_ = 	snop;
	(pc) =	sbr.rel @p2 .LBB2_3-.Ltmp2, $1  }
0x5f: {  	_ =	sdelay $0x3  }
0x60: {  	s21 =	sld [smem:$0x7F4];
	_ =	sdelay $0x2  }
0x61: {  	p2 =	seq.s32 s21, $0x1  }
0x62: {  	s21 =	simm.s32 @!p2 $0x0;
	s22 =	simm.s32 @!p2 $0x1  }
0x63: {  	[tilespmem:s21], [sflag:$0x1] =	stream.linear.gather @!p2 [hbm4b:s16+s21], $0x2EE0, $0x38;
	[tilespmem:$0x2F00] =	vst v63  }
0x64: {  	_ =	swait.ge @!p2 [sflag:s22], $0x2EE0  }
0x65: {  	[sflag:s22] =	ssyncset.done @!p2 $0x0  }
0x66: {  	[sflag:s22] =	ssyncadd.s32 @!p2 $0xFFFFD120  }
0x67: {  	[hbm4b:s17+s21] =	stream.linear.scatter @!p2 [tilespmem:s21], [sflag:$0x1], $0x2EE0, $0x38;
	[tilespmem:$0x2F00] =	vst v63  }
0x68: {  	_ =	swait.ge @!p2 [sflag:s22], $0x2EE0  }
0x69: {  	s30 =	sld [smem:$0x7F6];
	_ =	sdelay $0x1  }
0x6a: {  	[sflag:s22] =	ssyncset.done @!p2 $0x0  }
0x6b: {  	[sflag:s22] =	ssyncadd.s32 @!p2 $0xFFFFD120;
	p2 =	seq.s32 s30, $0x1  }
0x6c: {  	s21 =	simm.s32 @!p2 $0x0;
	s22 =	simm.s32 @!p2 $0x1  }
0x6d: {  	[tilespmem:s21], [sflag:$0x1] =	stream.linear.gather @!p2 [hbm4b:s14+s21], $0x2EE0, $0x38;
	[tilespmem:$0x2F00] =	vst v63  }
0x6e: {  	_ =	swait.ge @!p2 [sflag:s22], $0x2EE0  }
0x6f: {  	[sflag:s22] =	ssyncset.done @!p2 $0x0  }
0x70: {  	[sflag:s22] =	ssyncadd.s32 @!p2 $0xFFFFD120  }
0x71: {  	[hbm4b:s15+s21] =	stream.linear.scatter @!p2 [tilespmem:s21], [sflag:$0x1], $0x2EE0, $0x38;
	[tilespmem:$0x2F00] =	vst v63  }
0x72: {  	_ =	swait.ge @!p2 [sflag:s22], $0x2EE0  }
0x73: {  	s31 =	sld [smem:$0x7FA];
	_ =	sdelay $0x1  }
0x74: {  	[sflag:s22] =	ssyncset.done @!p2 $0x0  }
0x75: {  	[sflag:s22] =	ssyncadd.s32 @!p2 $0xFFFFD120;
	p2 =	seq.s32 s31, $0x1  }
0x76: {  	s21 =	simm.s32 @!p2 $0x0;
	s22 =	simm.s32 @!p2 $0x1  }
0x77: {  	[tilespmem:s21], [sflag:$0x1] =	stream.linear.gather @!p2 [hbm4b:s1+s21], $0x1000, $0x38;
	[tilespmem:$0x2F00] =	vst v63  }
0x78: {  	_ =	swait.ge @!p2 [sflag:s22], $0x1000  }
0x79: {  	[sflag:s22] =	ssyncset.done @!p2 $0x0  }
0x7a: {  	[sflag:s22] =	ssyncadd.s32 @!p2 $0xFFFFF000  }
0x7b: {  	[hbm4b:s3+s21] =	stream.linear.scatter @!p2 [tilespmem:s21], [sflag:$0x1], $0x1000, $0x38;
	[tilespmem:$0x2F00] =	vst v63  }
0x7c: {  	_ =	swait.ge @!p2 [sflag:s22], $0x1000  }
0x7d: {  	[sflag:s22] =	ssyncset.done @!p2 $0x0  }
0x7e: {  	s21 =	simm.s32 @!p3 $0x0;
	[sflag:s22] =	ssyncadd.s32 @!p2 $0xFFFFF000;
	s22 =	simm.s32 @!p3 $0x1  }
0x7f: {  	[tilespmem:s21], [sflag:$0x1] =	stream.linear.gather @!p3 [hbm4b:s18+s21], $0x2EE0, $0x38;
	[tilespmem:$0x2F00] =	vst v63  }
0x80: {  	_ =	swait.ge @!p3 [sflag:s22], $0x2EE0  }
0x81: {  	[sflag:s22] =	ssyncset.done @!p3 $0x0  }
.Ltmp3:
0x82: {  	[sflag:s22] =	ssyncadd.s32 @!p3 $0xFFFFD120;
	(pc) =	sbr.rel .LBB2_4-.Ltmp3, $4  }
0x83: {  	[hbm4b:s19+s21] =	stream.linear.scatter @!p3 [tilespmem:s21], [sflag:$0x1], $0x2EE0, $0x38;
	[tilespmem:$0x2F00] =	vst v63  }
0x84: {  	_ =	swait.ge @!p3 [sflag:s22], $0x2EE0  }
0x85: {  	[sflag:s22] =	ssyncset.done @!p3 $0x0  }
0x86: {  	[sflag:s22] =	ssyncadd.s32 @!p3 $0xFFFFD120  }
.LBB2_5:
0x87: {  	_ =	sfence.sel $0x180000  }
0x88: {  	[bflag:$0x0] =	sbarrier.arrive $0xFFFF  }
0x89: {  	p0 =	sne.s32 s0, $0x0;
	_ =	strace $0x90000047  }
0x8a: {  	s0 =	sadd.s32 @!p0 $0x100000, s2;
	[bflag:$0x2] =	sbarrier.arrive $0xFFFF  }
0x8b: {  	[sflag:s0] =	ssyncadd.tile.s32 @!p0 $0x1;
	_ =	shalt  }
.Lfunc_end2:
_tile_overlayer_lowered:
.L_overlay_start_2:
0x8c: {  	(tag) =	ssettag $0x2  }
0x8d: {  	s0 =	rddreg [dreg:$0x0];
	s2 =	stileid.u32  }
0x8e: {  	s1 =	rddreg [dreg:$0x1];
	p0 =	sne.s32 s2, $0x0  }
0x8f: {  	s3 =	rddreg [dreg:$0x2];
	[bflag:$0x3] =	sbarrier.arrive $0xFFFF;
	s2 =	simm.s32 @!p0 $0x1C01  }
0x90: {  	[timem:s3], [sflag:s2] =	dma.local @!p0 [hbm:s0], s1  }
0x91: {  	s0 =	simm.s32 @!p0 $0x1  }
0x92: {  	_ =	swait.ge @!p0 [sflag:s0], s1  }
0x93: {  	s1 =	ssub.s32 @!p0 $0x0, s1;
	[sflag:s0] =	ssyncset.done @!p0 $0x0  }
0x94: {  	[sflag:s0] =	ssyncadd.s32 @!p0 s1  }
0x95: {  	[bflag:$0x3] =	sbarrier.arrive $0xFFFF  }
0x96: {  	_ =	shalt  }

</sc_bundles>
